<compile_context>
chip_gen: v7x
topology: tpu7x:2x2x1
jax: 0.10.2.dev20260603
libtpu: 0.0.44.dev20260713+nightly
codegen_flags: <defaults>
</compile_context>

<pallas_src>
import jax
import jax.numpy as jnp
from jax import lax
from jax.experimental import pallas as pl
from jax.experimental.pallas import tpu as pltpu
from jax.experimental.pallas import tpu_sc as plsc

_NB = 255
_N = 131072
_NW = 32
_RPW = _N // _NW
_CR = 32
_NCH = _RPW // _CR
_VPC = _CR // 16
_RING = 2


def _search16(bins_vmem, x):
    idx = jnp.zeros((16,), jnp.int32)
    for s in (128, 64, 32, 16, 8, 4, 2, 1):
        t = idx + s
        bv = plsc.load_gather(bins_vmem, [t - 1])
        idx = jnp.where(bv < x, t, idx)
    return idx


def _sc_body(values_hbm, bins_hbm, zrows_hbm, out_hbm,
             x_vmem, bins_vmem, bufs, hists, sems, semx, semb):
    wid = lax.axis_index("s") * 2 + lax.axis_index("c")
    base_row = wid * _RPW
    cx = pltpu.make_async_copy(values_hbm.at[pl.ds(base_row, _RPW)], x_vmem, semx)
    cb = pltpu.make_async_copy(bins_hbm, bins_vmem, semb)
    cz = [pltpu.make_async_copy(zrows_hbm, bufs[b], sems[b]) for b in range(_RING)]
    cx.start()
    cb.start()
    for c in cz:
        c.start()

    lane = lax.iota(jnp.int32, 16)
    zero16 = jnp.zeros((16,), jnp.float32)

    def out_slice(c):
        return out_hbm.at[pl.ds(base_row + c * _CR, _CR), :]

    def fill_chunk(c, buf, hist):
        for v in range(_VPC):
            x = x_vmem[pl.ds(c * _CR + v * 16, 16)]
            idx = _search16(bins_vmem, x)
            l = jnp.minimum(jnp.maximum(idx - 1, 0), _NB - 2)
            bl = plsc.load_gather(bins_vmem, [l])
            br = plsc.load_gather(bins_vmem, [l + 1])
            wl = (br - x) / (br - bl)
            wl = jnp.minimum(jnp.maximum(wl, 0.0), 1.0)
            row = lane + (v * 16)
            plsc.store_scatter(buf, [row, l], wl)
            plsc.store_scatter(buf, [row, l + 1], 1.0 - wl)
            hist[pl.ds(v * 16, 16)] = l

    def zero_chunk(buf, hist):
        for v in range(_VPC):
            l = hist[pl.ds(v * 16, 16)]
            row = lane + (v * 16)
            plsc.store_scatter(buf, [row, l], zero16)
            plsc.store_scatter(buf, [row, l + 1], zero16)

    cx.wait()
    cb.wait()
    for b in range(_RING):
        cz[b].wait()
        fill_chunk(b, bufs[b], hists[b])
        pltpu.make_async_copy(bufs[b], out_slice(b), sems[b]).start()

    def step(i, carry):
        for b in range(_RING):
            c = i * _RING + b
            pltpu.make_async_copy(bufs[b], out_slice(c - _RING), sems[b]).wait()
            zero_chunk(bufs[b], hists[b])
            fill_chunk(c, bufs[b], hists[b])
            pltpu.make_async_copy(bufs[b], out_slice(c), sems[b]).start()
        return carry

    lax.fori_loop(1, _NCH // _RING, step, 0)

    for b in range(_RING):
        pltpu.make_async_copy(bufs[b], out_slice(_NCH - _RING + b), sems[b]).wait()


@jax.jit
def _sc_twohot(flat, bins, zrows):
    mesh = plsc.VectorSubcoreMesh(core_axis_name="c", subcore_axis_name="s")
    run = pl.kernel(
        _sc_body,
        out_type=jax.ShapeDtypeStruct((_N, _NB), jnp.float32),
        mesh=mesh,
        scratch_types=[
            pltpu.VMEM((_RPW,), jnp.float32),
            pltpu.VMEM((_NB,), jnp.float32),
            [pltpu.VMEM((_CR, _NB), jnp.float32) for _ in range(_RING)],
            [pltpu.VMEM((_CR,), jnp.int32) for _ in range(_RING)],
            [pltpu.SemaphoreType.DMA for _ in range(_RING)],
            pltpu.SemaphoreType.DMA,
            pltpu.SemaphoreType.DMA,
        ],
        compiler_params=pltpu.CompilerParams(needs_layout_passes=False),
    )
    return run(flat, bins, zrows)


def kernel(values, bin_values):
    orig_shape = values.shape
    flat = values.reshape(-1)
    zrows = jnp.zeros((_CR, _NB), jnp.float32)
    out = _sc_twohot(flat, bin_values, zrows)
    return out.reshape(orig_shape + (_NB,))

# --- scband reference (transcript-rebuilt; emitter-appended) ---
"""Pipeline reference for scband-sym-exp-two-hot-14972255994150 (READ-ONLY COPY).

The authoritative reference and input builder live on the scoring server;
editing this copy changes nothing except your own understanding.
"""

import jax, jax.numpy as jnp
import numpy as np

NUM_BINS = 255
REWARD_RANGE = (-20.0, 20.0)


def _bin_values():
    v = jnp.linspace(REWARD_RANGE[0], REWARD_RANGE[1], NUM_BINS)
    v = jnp.sign(v) * (jnp.exp(jnp.abs(v)) - 1.0)
    return v.astype(jnp.float32)


def setup_inputs(seed: int = 0) -> dict:
    key = jax.random.key(seed)
    values = jax.random.normal(key, (131072,), dtype=jnp.float32) * 3.0
    return {"values": values, "bin_values": _bin_values()}


def reference(values, bin_values):
    orig_shape = values.shape
    flat = values.reshape(-1)
    min_bin = bin_values[0]
    max_bin = bin_values[-1]
    flat = jnp.clip(flat, min_bin, max_bin)
    # torch.searchsorted default side='left' matches jnp.searchsorted default
    indices = jnp.searchsorted(bin_values, flat)
    left_indices = jnp.clip(indices - 1, 0, None)
    right_indices = left_indices + 1
    left_values = bin_values[left_indices]
    right_values = bin_values[right_indices]
    total_distance = right_values - left_values
    left_logit_value = (right_values - flat) / total_distance
    right_logit_value = 1.0 - left_logit_value
    n = flat.shape[0]
    rows = jnp.arange(n)
    encoded = jnp.zeros((n, NUM_BINS), dtype=jnp.float32)
    # torch scatter_ along dim=-1 with overwrite semantics -> .at[...].set
    encoded = encoded.at[rows, left_indices].set(left_logit_value)
    encoded = encoded.at[rows, right_indices].set(right_logit_value)
    return encoded.reshape(orig_shape + (NUM_BINS,))

if __name__ == "__main__":
    import jax
    _d = setup_inputs()
    print(jax.jit(kernel)(*tuple(_d.values())))

</pallas_src>

<mosaic_0001>
#map = affine_map<(d0, d1) -> (0)>
#map1 = affine_map<(d0, d1) -> (0, 0)>
module attributes {stable_mosaic.version = 14 : i64} {
  func.func @_sc_body(%arg0: i32, %arg1: i32, %arg2: memref<131072xf32, #tpu.memory_space<hbm>>, %arg3: memref<255xf32, #tpu.memory_space<hbm>>, %arg4: memref<32x255xf32, #tpu.memory_space<hbm>>, %arg5: memref<131072x255xf32, #tpu.memory_space<hbm>>, %arg6: memref<4096xf32, #tpu.memory_space<vmem>>, %arg7: memref<255xf32, #tpu.memory_space<vmem>>, %arg8: memref<32x255xf32, #tpu.memory_space<vmem>>, %arg9: memref<32x255xf32, #tpu.memory_space<vmem>>, %arg10: memref<32xi32, #tpu.memory_space<vmem>>, %arg11: memref<32xi32, #tpu.memory_space<vmem>>, %arg12: memref<!tpu.dma_semaphore, #tpu.memory_space<semaphore_mem>>, %arg13: memref<!tpu.dma_semaphore, #tpu.memory_space<semaphore_mem>>, %arg14: memref<!tpu.dma_semaphore, #tpu.memory_space<semaphore_mem>>, %arg15: memref<!tpu.dma_semaphore, #tpu.memory_space<semaphore_mem>>) attributes {dimension_semantics = [#tpu.dimension_semantics<core_parallel>, #tpu.dimension_semantics<subcore_parallel>], iteration_bounds = array<i64: 2, 16>, scalar_prefetch = 0 : i64, scratch_operands = 10 : i64, tpu.core_type = #tpu.core_type<sc_vector_subcore>, window_params = [{transform_indices = #map}, {transform_indices = #map}, {transform_indices = #map1}, {transform_indices = #map1}]} {
    %mul3A = arith.constant 2 : i32
    %mul3A_0 = arith.muli %arg1, %mul3A : i32
    %add3A = arith.addi %mul3A_0, %arg0 : i32
    %mul3A_1 = arith.constant 4096 : i32
    %mul3A_2 = arith.muli %add3A, %mul3A_1 : i32
    %dma_start3A = tpu.memref_slice %arg2[%mul3A_2] : memref<131072xf32, #tpu.memory_space<hbm>> -> memref<4096xf32, #tpu.memory_space<hbm>>
    %dma_start3A_3 = tpu.memref_slice %arg2[%mul3A_2] : memref<131072xf32, #tpu.memory_space<hbm>> -> memref<4096xf32, #tpu.memory_space<hbm>>
    tpu.enqueue_dma source(%dma_start3A_3 : memref<4096xf32, #tpu.memory_space<hbm>>) target(%arg6 : memref<4096xf32, #tpu.memory_space<vmem>>) target_semaphore(%arg14 : memref<!tpu.dma_semaphore, #tpu.memory_space<semaphore_mem>>)
    tpu.enqueue_dma source(%arg3 : memref<255xf32, #tpu.memory_space<hbm>>) target(%arg7 : memref<255xf32, #tpu.memory_space<vmem>>) target_semaphore(%arg15 : memref<!tpu.dma_semaphore, #tpu.memory_space<semaphore_mem>>)
    tpu.enqueue_dma source(%arg4 : memref<32x255xf32, #tpu.memory_space<hbm>>) target(%arg8 : memref<32x255xf32, #tpu.memory_space<vmem>>) target_semaphore(%arg12 : memref<!tpu.dma_semaphore, #tpu.memory_space<semaphore_mem>>)
    tpu.enqueue_dma source(%arg4 : memref<32x255xf32, #tpu.memory_space<hbm>>) target(%arg9 : memref<32x255xf32, #tpu.memory_space<vmem>>) target_semaphore(%arg13 : memref<!tpu.dma_semaphore, #tpu.memory_space<semaphore_mem>>)
    %iota3A = tpu.iota {dimensions = array<i32: 0>} : vector<16xi32>
    %broadcast_in_dim3A = arith.constant 0.000000e+00 : f32
    %broadcast_in_dim3A_4 = vector.broadcast %broadcast_in_dim3A : f32 to vector<16xf32>
    %dma_wait3A = tpu.memref_slice %arg2[%mul3A_2] : memref<131072xf32, #tpu.memory_space<hbm>> -> memref<4096xf32, #tpu.memory_space<hbm>>
    %dma_wait3A_5 = tpu.memref_slice %arg2[%mul3A_2] : memref<131072xf32, #tpu.memory_space<hbm>> -> memref<4096xf32, #tpu.memory_space<hbm>>
    tpu.wait_dma2 semaphore(%arg14 : memref<!tpu.dma_semaphore, #tpu.memory_space<semaphore_mem>>) src(%dma_wait3A_5 : memref<4096xf32, #tpu.memory_space<hbm>>) dst(%arg6 : memref<4096xf32, #tpu.memory_space<vmem>>)
    tpu.wait_dma2 semaphore(%arg15 : memref<!tpu.dma_semaphore, #tpu.memory_space<semaphore_mem>>) src(%arg3 : memref<255xf32, #tpu.memory_space<hbm>>) dst(%arg7 : memref<255xf32, #tpu.memory_space<vmem>>)
    tpu.wait_dma2 semaphore(%arg12 : memref<!tpu.dma_semaphore, #tpu.memory_space<semaphore_mem>>) src(%arg4 : memref<32x255xf32, #tpu.memory_space<hbm>>) dst(%arg8 : memref<32x255xf32, #tpu.memory_space<vmem>>)
    %get3A = arith.constant 0 : index
    %get3A_6 = tpu.vector_load %arg6[%get3A] {strides = array<i32>} : memref<4096xf32, #tpu.memory_space<vmem>>, vector<16xf32>,
    %broadcast_in_dim3A_7 = arith.constant 0 : i32
    %broadcast_in_dim3A_8 = vector.broadcast %broadcast_in_dim3A_7 : i32 to vector<16xi32>
    %add3A_9 = arith.constant 128 : i32
    %add3A_10 = vector.broadcast %add3A_9 : i32 to vector<16xi32>
    %add3A_11 = arith.addi %broadcast_in_dim3A_8, %add3A_10 : vector<16xi32>
    %sub3A = arith.constant 1 : i32
    %sub3A_12 = vector.broadcast %sub3A : i32 to vector<16xi32>
    %sub3A_13 = arith.subi %add3A_11, %sub3A_12 : vector<16xi32>
    %gather3A = tpu.vector_load_idx %arg7[%sub3A_13] : memref<255xf32, #tpu.memory_space<vmem>>[vector<16xi32>], vector<16xf32>,
    %lt3A = arith.cmpf olt, %gather3A, %get3A_6 : vector<16xf32>
    %select_n3A = arith.select %lt3A, %add3A_11, %broadcast_in_dim3A_8 : vector<16xi1>, vector<16xi32>
    %add3A_14 = arith.constant 64 : i32
    %add3A_15 = vector.broadcast %add3A_14 : i32 to vector<16xi32>
    %add3A_16 = arith.addi %select_n3A, %add3A_15 : vector<16xi32>
    %sub3A_17 = arith.constant 1 : i32
    %sub3A_18 = vector.broadcast %sub3A_17 : i32 to vector<16xi32>
    %sub3A_19 = arith.subi %add3A_16, %sub3A_18 : vector<16xi32>
    %gather3A_20 = tpu.vector_load_idx %arg7[%sub3A_19] : memref<255xf32, #tpu.memory_space<vmem>>[vector<16xi32>], vector<16xf32>,
    %lt3A_21 = arith.cmpf olt, %gather3A_20, %get3A_6 : vector<16xf32>
    %select_n3A_22 = arith.select %lt3A_21, %add3A_16, %select_n3A : vector<16xi1>, vector<16xi32>
    %add3A_23 = arith.constant 32 : i32
    %add3A_24 = vector.broadcast %add3A_23 : i32 to vector<16xi32>
    %add3A_25 = arith.addi %select_n3A_22, %add3A_24 : vector<16xi32>
    %sub3A_26 = arith.constant 1 : i32
    %sub3A_27 = vector.broadcast %sub3A_26 : i32 to vector<16xi32>
    %sub3A_28 = arith.subi %add3A_25, %sub3A_27 : vector<16xi32>
    %gather3A_29 = tpu.vector_load_idx %arg7[%sub3A_28] : memref<255xf32, #tpu.memory_space<vmem>>[vector<16xi32>], vector<16xf32>,
    %lt3A_30 = arith.cmpf olt, %gather3A_29, %get3A_6 : vector<16xf32>
    %select_n3A_31 = arith.select %lt3A_30, %add3A_25, %select_n3A_22 : vector<16xi1>, vector<16xi32>
    %add3A_32 = arith.constant 16 : i32
    %add3A_33 = vector.broadcast %add3A_32 : i32 to vector<16xi32>
    %add3A_34 = arith.addi %select_n3A_31, %add3A_33 : vector<16xi32>
    %sub3A_35 = arith.constant 1 : i32
    %sub3A_36 = vector.broadcast %sub3A_35 : i32 to vector<16xi32>
    %sub3A_37 = arith.subi %add3A_34, %sub3A_36 : vector<16xi32>
    %gather3A_38 = tpu.vector_load_idx %arg7[%sub3A_37] : memref<255xf32, #tpu.memory_space<vmem>>[vector<16xi32>], vector<16xf32>,
    %lt3A_39 = arith.cmpf olt, %gather3A_38, %get3A_6 : vector<16xf32>
    %select_n3A_40 = arith.select %lt3A_39, %add3A_34, %select_n3A_31 : vector<16xi1>, vector<16xi32>
    %add3A_41 = arith.constant 8 : i32
    %add3A_42 = vector.broadcast %add3A_41 : i32 to vector<16xi32>
    %add3A_43 = arith.addi %select_n3A_40, %add3A_42 : vector<16xi32>
    %sub3A_44 = arith.constant 1 : i32
    %sub3A_45 = vector.broadcast %sub3A_44 : i32 to vector<16xi32>
    %sub3A_46 = arith.subi %add3A_43, %sub3A_45 : vector<16xi32>
    %gather3A_47 = tpu.vector_load_idx %arg7[%sub3A_46] : memref<255xf32, #tpu.memory_space<vmem>>[vector<16xi32>], vector<16xf32>,
    %lt3A_48 = arith.cmpf olt, %gather3A_47, %get3A_6 : vector<16xf32>
    %select_n3A_49 = arith.select %lt3A_48, %add3A_43, %select_n3A_40 : vector<16xi1>, vector<16xi32>
    %add3A_50 = arith.constant 4 : i32
    %add3A_51 = vector.broadcast %add3A_50 : i32 to vector<16xi32>
    %add3A_52 = arith.addi %select_n3A_49, %add3A_51 : vector<16xi32>
    %sub3A_53 = arith.constant 1 : i32
    %sub3A_54 = vector.broadcast %sub3A_53 : i32 to vector<16xi32>
    %sub3A_55 = arith.subi %add3A_52, %sub3A_54 : vector<16xi32>
    %gather3A_56 = tpu.vector_load_idx %arg7[%sub3A_55] : memref<255xf32, #tpu.memory_space<vmem>>[vector<16xi32>], vector<16xf32>,
    %lt3A_57 = arith.cmpf olt, %gather3A_56, %get3A_6 : vector<16xf32>
    %select_n3A_58 = arith.select %lt3A_57, %add3A_52, %select_n3A_49 : vector<16xi1>, vector<16xi32>
    %add3A_59 = arith.constant 2 : i32
    %add3A_60 = vector.broadcast %add3A_59 : i32 to vector<16xi32>
    %add3A_61 = arith.addi %select_n3A_58, %add3A_60 : vector<16xi32>
    %sub3A_62 = arith.constant 1 : i32
    %sub3A_63 = vector.broadcast %sub3A_62 : i32 to vector<16xi32>
    %sub3A_64 = arith.subi %add3A_61, %sub3A_63 : vector<16xi32>
    %gather3A_65 = tpu.vector_load_idx %arg7[%sub3A_64] : memref<255xf32, #tpu.memory_space<vmem>>[vector<16xi32>], vector<16xf32>,
    %lt3A_66 = arith.cmpf olt, %gather3A_65, %get3A_6 : vector<16xf32>
    %select_n3A_67 = arith.select %lt3A_66, %add3A_61, %select_n3A_58 : vector<16xi1>, vector<16xi32>
    %add3A_68 = arith.constant 1 : i32
    %add3A_69 = vector.broadcast %add3A_68 : i32 to vector<16xi32>
    %add3A_70 = arith.addi %select_n3A_67, %add3A_69 : vector<16xi32>
    %sub3A_71 = arith.constant 1 : i32
    %sub3A_72 = vector.broadcast %sub3A_71 : i32 to vector<16xi32>
    %sub3A_73 = arith.subi %add3A_70, %sub3A_72 : vector<16xi32>
    %gather3A_74 = tpu.vector_load_idx %arg7[%sub3A_73] : memref<255xf32, #tpu.memory_space<vmem>>[vector<16xi32>], vector<16xf32>,
    %lt3A_75 = arith.cmpf olt, %gather3A_74, %get3A_6 : vector<16xf32>
    %select_n3A_76 = arith.select %lt3A_75, %add3A_70, %select_n3A_67 : vector<16xi1>, vector<16xi32>
    %sub3A_77 = arith.constant 1 : i32
    %sub3A_78 = vector.broadcast %sub3A_77 : i32 to vector<16xi32>
    %sub3A_79 = arith.subi %select_n3A_76, %sub3A_78 : vector<16xi32>
    %max3A = arith.constant 0 : i32
    %max3A_80 = vector.broadcast %max3A : i32 to vector<16xi32>
    %max3A_81 = arith.maxsi %sub3A_79, %max3A_80 : vector<16xi32>
    %min3A = arith.constant 253 : i32
    %min3A_82 = vector.broadcast %min3A : i32 to vector<16xi32>
    %min3A_83 = arith.minsi %max3A_81, %min3A_82 : vector<16xi32>
    %gather3A_84 = tpu.vector_load_idx %arg7[%min3A_83] : memref<255xf32, #tpu.memory_space<vmem>>[vector<16xi32>], vector<16xf32>,
    %add3A_85 = arith.constant 1 : i32
    %add3A_86 = vector.broadcast %add3A_85 : i32 to vector<16xi32>
    %add3A_87 = arith.addi %min3A_83, %add3A_86 : vector<16xi32>
    %gather3A_88 = tpu.vector_load_idx %arg7[%add3A_87] : memref<255xf32, #tpu.memory_space<vmem>>[vector<16xi32>], vector<16xf32>,
    %sub3A_89 = arith.subf %gather3A_88, %get3A_6 : vector<16xf32>
    %sub3A_90 = arith.subf %gather3A_88, %gather3A_84 : vector<16xf32>
    %div3A = arith.divf %sub3A_89, %sub3A_90 : vector<16xf32>
    %max3A_91 = arith.constant 0.000000e+00 : f32
    %max3A_92 = vector.broadcast %max3A_91 : f32 to vector<16xf32>
    %max3A_93 = arith.maximumf %div3A, %max3A_92 : vector<16xf32>
    %min3A_94 = arith.constant 1.000000e+00 : f32
    %min3A_95 = vector.broadcast %min3A_94 : f32 to vector<16xf32>
    %min3A_96 = arith.minimumf %max3A_93, %min3A_95 : vector<16xf32>
    %add3A_97 = arith.constant 0 : i32
    %add3A_98 = vector.broadcast %add3A_97 : i32 to vector<16xi32>
    %add3A_99 = arith.addi %iota3A, %add3A_98 : vector<16xi32>
    tpu.vector_store_idx %arg8[%add3A_99, %min3A_83], %min3A_96 : memref<32x255xf32, #tpu.memory_space<vmem>>[vector<16xi32>, vector<16xi32>], vector<16xf32>,
    %add3A_100 = arith.constant 1 : i32
    %add3A_101 = vector.broadcast %add3A_100 : i32 to vector<16xi32>
    %add3A_102 = arith.addi %min3A_83, %add3A_101 : vector<16xi32>
    %sub3A_103 = arith.constant 1.000000e+00 : f32
    %sub3A_104 = vector.broadcast %sub3A_103 : f32 to vector<16xf32>
    %sub3A_105 = arith.subf %sub3A_104, %min3A_96 : vector<16xf32>
    tpu.vector_store_idx %arg8[%add3A_99, %add3A_102], %sub3A_105 : memref<32x255xf32, #tpu.memory_space<vmem>>[vector<16xi32>, vector<16xi32>], vector<16xf32>,
    %swap3A = arith.constant 0 : index
    %swap3A_106 = tpu.vector_load %arg10[%swap3A] {strides = array<i32>} : memref<32xi32, #tpu.memory_space<vmem>>, vector<16xi32>,
    tpu.vector_store %arg10[%swap3A], %min3A_83 {strides = array<i32>} : memref<32xi32, #tpu.memory_space<vmem>>, vector<16xi32>,
    %get3A_107 = arith.constant 16 : index
    %get3A_108 = tpu.vector_load %arg6[%get3A_107] {strides = array<i32>} : memref<4096xf32, #tpu.memory_space<vmem>>, vector<16xf32>,
    %broadcast_in_dim3A_109 = arith.constant 0 : i32
    %broadcast_in_dim3A_110 = vector.broadcast %broadcast_in_dim3A_109 : i32 to vector<16xi32>
    %add3A_111 = arith.constant 128 : i32
    %add3A_112 = vector.broadcast %add3A_111 : i32 to vector<16xi32>
    %add3A_113 = arith.addi %broadcast_in_dim3A_110, %add3A_112 : vector<16xi32>
    %sub3A_114 = arith.constant 1 : i32
    %sub3A_115 = vector.broadcast %sub3A_114 : i32 to vector<16xi32>
    %sub3A_116 = arith.subi %add3A_113, %sub3A_115 : vector<16xi32>
    %gather3A_117 = tpu.vector_load_idx %arg7[%sub3A_116] : memref<255xf32, #tpu.memory_space<vmem>>[vector<16xi32>], vector<16xf32>,
    %lt3A_118 = arith.cmpf olt, %gather3A_117, %get3A_108 : vector<16xf32>
    %select_n3A_119 = arith.select %lt3A_118, %add3A_113, %broadcast_in_dim3A_110 : vector<16xi1>, vector<16xi32>
    %add3A_120 = arith.constant 64 : i32
    %add3A_121 = vector.broadcast %add3A_120 : i32 to vector<16xi32>
    %add3A_122 = arith.addi %select_n3A_119, %add3A_121 : vector<16xi32>
    %sub3A_123 = arith.constant 1 : i32
    %sub3A_124 = vector.broadcast %sub3A_123 : i32 to vector<16xi32>
    %sub3A_125 = arith.subi %add3A_122, %sub3A_124 : vector<16xi32>
    %gather3A_126 = tpu.vector_load_idx %arg7[%sub3A_125] : memref<255xf32, #tpu.memory_space<vmem>>[vector<16xi32>], vector<16xf32>,
    %lt3A_127 = arith.cmpf olt, %gather3A_126, %get3A_108 : vector<16xf32>
    %select_n3A_128 = arith.select %lt3A_127, %add3A_122, %select_n3A_119 : vector<16xi1>, vector<16xi32>
    %add3A_129 = arith.constant 32 : i32
    %add3A_130 = vector.broadcast %add3A_129 : i32 to vector<16xi32>
    %add3A_131 = arith.addi %select_n3A_128, %add3A_130 : vector<16xi32>
    %sub3A_132 = arith.constant 1 : i32
    %sub3A_133 = vector.broadcast %sub3A_132 : i32 to vector<16xi32>
    %sub3A_134 = arith.subi %add3A_131, %sub3A_133 : vector<16xi32>
    %gather3A_135 = tpu.vector_load_idx %arg7[%sub3A_134] : memref<255xf32, #tpu.memory_space<vmem>>[vector<16xi32>], vector<16xf32>,
    %lt3A_136 = arith.cmpf olt, %gather3A_135, %get3A_108 : vector<16xf32>
    %select_n3A_137 = arith.select %lt3A_136, %add3A_131, %select_n3A_128 : vector<16xi1>, vector<16xi32>
    %add3A_138 = arith.constant 16 : i32
    %add3A_139 = vector.broadcast %add3A_138 : i32 to vector<16xi32>
    %add3A_140 = arith.addi %select_n3A_137, %add3A_139 : vector<16xi32>
    %sub3A_141 = arith.constant 1 : i32
    %sub3A_142 = vector.broadcast %sub3A_141 : i32 to vector<16xi32>
    %sub3A_143 = arith.subi %add3A_140, %sub3A_142 : vector<16xi32>
    %gather3A_144 = tpu.vector_load_idx %arg7[%sub3A_143] : memref<255xf32, #tpu.memory_space<vmem>>[vector<16xi32>], vector<16xf32>,
    %lt3A_145 = arith.cmpf olt, %gather3A_144, %get3A_108 : vector<16xf32>
    %select_n3A_146 = arith.select %lt3A_145, %add3A_140, %select_n3A_137 : vector<16xi1>, vector<16xi32>
    %add3A_147 = arith.constant 8 : i32
    %add3A_148 = vector.broadcast %add3A_147 : i32 to vector<16xi32>
    %add3A_149 = arith.addi %select_n3A_146, %add3A_148 : vector<16xi32>
    %sub3A_150 = arith.constant 1 : i32
    %sub3A_151 = vector.broadcast %sub3A_150 : i32 to vector<16xi32>
    %sub3A_152 = arith.subi %add3A_149, %sub3A_151 : vector<16xi32>
    %gather3A_153 = tpu.vector_load_idx %arg7[%sub3A_152] : memref<255xf32, #tpu.memory_space<vmem>>[vector<16xi32>], vector<16xf32>,
    %lt3A_154 = arith.cmpf olt, %gather3A_153, %get3A_108 : vector<16xf32>
    %select_n3A_155 = arith.select %lt3A_154, %add3A_149, %select_n3A_146 : vector<16xi1>, vector<16xi32>
    %add3A_156 = arith.constant 4 : i32
    %add3A_157 = vector.broadcast %add3A_156 : i32 to vector<16xi32>
    %add3A_158 = arith.addi %select_n3A_155, %add3A_157 : vector<16xi32>
    %sub3A_159 = arith.constant 1 : i32
    %sub3A_160 = vector.broadcast %sub3A_159 : i32 to vector<16xi32>
    %sub3A_161 = arith.subi %add3A_158, %sub3A_160 : vector<16xi32>
    %gather3A_162 = tpu.vector_load_idx %arg7[%sub3A_161] : memref<255xf32, #tpu.memory_space<vmem>>[vector<16xi32>], vector<16xf32>,
    %lt3A_163 = arith.cmpf olt, %gather3A_162, %get3A_108 : vector<16xf32>
    %select_n3A_164 = arith.select %lt3A_163, %add3A_158, %select_n3A_155 : vector<16xi1>, vector<16xi32>
    %add3A_165 = arith.constant 2 : i32
    %add3A_166 = vector.broadcast %add3A_165 : i32 to vector<16xi32>
    %add3A_167 = arith.addi %select_n3A_164, %add3A_166 : vector<16xi32>
    %sub3A_168 = arith.constant 1 : i32
    %sub3A_169 = vector.broadcast %sub3A_168 : i32 to vector<16xi32>
    %sub3A_170 = arith.subi %add3A_167, %sub3A_169 : vector<16xi32>
    %gather3A_171 = tpu.vector_load_idx %arg7[%sub3A_170] : memref<255xf32, #tpu.memory_space<vmem>>[vector<16xi32>], vector<16xf32>,
    %lt3A_172 = arith.cmpf olt, %gather3A_171, %get3A_108 : vector<16xf32>
    %select_n3A_173 = arith.select %lt3A_172, %add3A_167, %select_n3A_164 : vector<16xi1>, vector<16xi32>
    %add3A_174 = arith.constant 1 : i32
    %add3A_175 = vector.broadcast %add3A_174 : i32 to vector<16xi32>
    %add3A_176 = arith.addi %select_n3A_173, %add3A_175 : vector<16xi32>
    %sub3A_177 = arith.constant 1 : i32
    %sub3A_178 = vector.broadcast %sub3A_177 : i32 to vector<16xi32>
    %sub3A_179 = arith.subi %add3A_176, %sub3A_178 : vector<16xi32>
    %gather3A_180 = tpu.vector_load_idx %arg7[%sub3A_179] : memref<255xf32, #tpu.memory_space<vmem>>[vector<16xi32>], vector<16xf32>,
    %lt3A_181 = arith.cmpf olt, %gather3A_180, %get3A_108 : vector<16xf32>
    %select_n3A_182 = arith.select %lt3A_181, %add3A_176, %select_n3A_173 : vector<16xi1>, vector<16xi32>
    %sub3A_183 = arith.constant 1 : i32
    %sub3A_184 = vector.broadcast %sub3A_183 : i32 to vector<16xi32>
    %sub3A_185 = arith.subi %select_n3A_182, %sub3A_184 : vector<16xi32>
    %max3A_186 = arith.constant 0 : i32
    %max3A_187 = vector.broadcast %max3A_186 : i32 to vector<16xi32>
    %max3A_188 = arith.maxsi %sub3A_185, %max3A_187 : vector<16xi32>
    %min3A_189 = arith.constant 253 : i32
    %min3A_190 = vector.broadcast %min3A_189 : i32 to vector<16xi32>
    %min3A_191 = arith.minsi %max3A_188, %min3A_190 : vector<16xi32>
    %gather3A_192 = tpu.vector_load_idx %arg7[%min3A_191] : memref<255xf32, #tpu.memory_space<vmem>>[vector<16xi32>], vector<16xf32>,
    %add3A_193 = arith.constant 1 : i32
    %add3A_194 = vector.broadcast %add3A_193 : i32 to vector<16xi32>
    %add3A_195 = arith.addi %min3A_191, %add3A_194 : vector<16xi32>
    %gather3A_196 = tpu.vector_load_idx %arg7[%add3A_195] : memref<255xf32, #tpu.memory_space<vmem>>[vector<16xi32>], vector<16xf32>,
    %sub3A_197 = arith.subf %gather3A_196, %get3A_108 : vector<16xf32>
    %sub3A_198 = arith.subf %gather3A_196, %gather3A_192 : vector<16xf32>
    %div3A_199 = arith.divf %sub3A_197, %sub3A_198 : vector<16xf32>
    %max3A_200 = arith.constant 0.000000e+00 : f32
    %max3A_201 = vector.broadcast %max3A_200 : f32 to vector<16xf32>
    %max3A_202 = arith.maximumf %div3A_199, %max3A_201 : vector<16xf32>
    %min3A_203 = arith.constant 1.000000e+00 : f32
    %min3A_204 = vector.broadcast %min3A_203 : f32 to vector<16xf32>
    %min3A_205 = arith.minimumf %max3A_202, %min3A_204 : vector<16xf32>
    %add3A_206 = arith.constant 16 : i32
    %add3A_207 = vector.broadcast %add3A_206 : i32 to vector<16xi32>
    %add3A_208 = arith.addi %iota3A, %add3A_207 : vector<16xi32>
    tpu.vector_store_idx %arg8[%add3A_208, %min3A_191], %min3A_205 : memref<32x255xf32, #tpu.memory_space<vmem>>[vector<16xi32>, vector<16xi32>], vector<16xf32>,
    %add3A_209 = arith.constant 1 : i32
    %add3A_210 = vector.broadcast %add3A_209 : i32 to vector<16xi32>
    %add3A_211 = arith.addi %min3A_191, %add3A_210 : vector<16xi32>
    %sub3A_212 = arith.constant 1.000000e+00 : f32
    %sub3A_213 = vector.broadcast %sub3A_212 : f32 to vector<16xf32>
    %sub3A_214 = arith.subf %sub3A_213, %min3A_205 : vector<16xf32>
    tpu.vector_store_idx %arg8[%add3A_208, %add3A_211], %sub3A_214 : memref<32x255xf32, #tpu.memory_space<vmem>>[vector<16xi32>, vector<16xi32>], vector<16xf32>,
    %swap3A_215 = arith.constant 16 : index
    %swap3A_216 = tpu.vector_load %arg10[%swap3A_215] {strides = array<i32>} : memref<32xi32, #tpu.memory_space<vmem>>, vector<16xi32>,
    tpu.vector_store %arg10[%swap3A_215], %min3A_191 {strides = array<i32>} : memref<32xi32, #tpu.memory_space<vmem>>, vector<16xi32>,
    %add3A_217 = arith.constant 0 : i32
    %add3A_218 = arith.addi %mul3A_2, %add3A_217 : i32
    %dma_start3A_219 = arith.constant 0 : i32
    %dma_start3A_220 = tpu.memref_slice %arg5[%add3A_218, %dma_start3A_219] : memref<131072x255xf32, #tpu.memory_space<hbm>> -> memref<32x255xf32, #tpu.memory_space<hbm>>
    %dma_start3A_221 = arith.constant 0 : i32
    %dma_start3A_222 = tpu.memref_slice %arg5[%add3A_218, %dma_start3A_221] : memref<131072x255xf32, #tpu.memory_space<hbm>> -> memref<32x255xf32, #tpu.memory_space<hbm>>
    tpu.enqueue_dma source(%arg8 : memref<32x255xf32, #tpu.memory_space<vmem>>) target(%dma_start3A_222 : memref<32x255xf32, #tpu.memory_space<hbm>>) target_semaphore(%arg12 : memref<!tpu.dma_semaphore, #tpu.memory_space<semaphore_mem>>)
    tpu.wait_dma2 semaphore(%arg13 : memref<!tpu.dma_semaphore, #tpu.memory_space<semaphore_mem>>) src(%arg4 : memref<32x255xf32, #tpu.memory_space<hbm>>) dst(%arg9 : memref<32x255xf32, #tpu.memory_space<vmem>>)
    %get3A_223 = arith.constant 32 : index
    %get3A_224 = tpu.vector_load %arg6[%get3A_223] {strides = array<i32>} : memref<4096xf32, #tpu.memory_space<vmem>>, vector<16xf32>,
    %broadcast_in_dim3A_225 = arith.constant 0 : i32
    %broadcast_in_dim3A_226 = vector.broadcast %broadcast_in_dim3A_225 : i32 to vector<16xi32>
    %add3A_227 = arith.constant 128 : i32
    %add3A_228 = vector.broadcast %add3A_227 : i32 to vector<16xi32>
    %add3A_229 = arith.addi %broadcast_in_dim3A_226, %add3A_228 : vector<16xi32>
    %sub3A_230 = arith.constant 1 : i32
    %sub3A_231 = vector.broadcast %sub3A_230 : i32 to vector<16xi32>
    %sub3A_232 = arith.subi %add3A_229, %sub3A_231 : vector<16xi32>
    %gather3A_233 = tpu.vector_load_idx %arg7[%sub3A_232] : memref<255xf32, #tpu.memory_space<vmem>>[vector<16xi32>], vector<16xf32>,
    %lt3A_234 = arith.cmpf olt, %gather3A_233, %get3A_224 : vector<16xf32>
    %select_n3A_235 = arith.select %lt3A_234, %add3A_229, %broadcast_in_dim3A_226 : vector<16xi1>, vector<16xi32>
    %add3A_236 = arith.constant 64 : i32
    %add3A_237 = vector.broadcast %add3A_236 : i32 to vector<16xi32>
    %add3A_238 = arith.addi %select_n3A_235, %add3A_237 : vector<16xi32>
    %sub3A_239 = arith.constant 1 : i32
    %sub3A_240 = vector.broadcast %sub3A_239 : i32 to vector<16xi32>
    %sub3A_241 = arith.subi %add3A_238, %sub3A_240 : vector<16xi32>
    %gather3A_242 = tpu.vector_load_idx %arg7[%sub3A_241] : memref<255xf32, #tpu.memory_space<vmem>>[vector<16xi32>], vector<16xf32>,
    %lt3A_243 = arith.cmpf olt, %gather3A_242, %get3A_224 : vector<16xf32>
    %select_n3A_244 = arith.select %lt3A_243, %add3A_238, %select_n3A_235 : vector<16xi1>, vector<16xi32>
    %add3A_245 = arith.constant 32 : i32
    %add3A_246 = vector.broadcast %add3A_245 : i32 to vector<16xi32>
    %add3A_247 = arith.addi %select_n3A_244, %add3A_246 : vector<16xi32>
    %sub3A_248 = arith.constant 1 : i32
    %sub3A_249 = vector.broadcast %sub3A_248 : i32 to vector<16xi32>
    %sub3A_250 = arith.subi %add3A_247, %sub3A_249 : vector<16xi32>
    %gather3A_251 = tpu.vector_load_idx %arg7[%sub3A_250] : memref<255xf32, #tpu.memory_space<vmem>>[vector<16xi32>], vector<16xf32>,
    %lt3A_252 = arith.cmpf olt, %gather3A_251, %get3A_224 : vector<16xf32>
    %select_n3A_253 = arith.select %lt3A_252, %add3A_247, %select_n3A_244 : vector<16xi1>, vector<16xi32>
    %add3A_254 = arith.constant 16 : i32
    %add3A_255 = vector.broadcast %add3A_254 : i32 to vector<16xi32>
    %add3A_256 = arith.addi %select_n3A_253, %add3A_255 : vector<16xi32>
    %sub3A_257 = arith.constant 1 : i32
    %sub3A_258 = vector.broadcast %sub3A_257 : i32 to vector<16xi32>
    %sub3A_259 = arith.subi %add3A_256, %sub3A_258 : vector<16xi32>
    %gather3A_260 = tpu.vector_load_idx %arg7[%sub3A_259] : memref<255xf32, #tpu.memory_space<vmem>>[vector<16xi32>], vector<16xf32>,
    %lt3A_261 = arith.cmpf olt, %gather3A_260, %get3A_224 : vector<16xf32>
    %select_n3A_262 = arith.select %lt3A_261, %add3A_256, %select_n3A_253 : vector<16xi1>, vector<16xi32>
    %add3A_263 = arith.constant 8 : i32
    %add3A_264 = vector.broadcast %add3A_263 : i32 to vector<16xi32>
    %add3A_265 = arith.addi %select_n3A_262, %add3A_264 : vector<16xi32>
    %sub3A_266 = arith.constant 1 : i32
    %sub3A_267 = vector.broadcast %sub3A_266 : i32 to vector<16xi32>
    %sub3A_268 = arith.subi %add3A_265, %sub3A_267 : vector<16xi32>
    %gather3A_269 = tpu.vector_load_idx %arg7[%sub3A_268] : memref<255xf32, #tpu.memory_space<vmem>>[vector<16xi32>], vector<16xf32>,
    %lt3A_270 = arith.cmpf olt, %gather3A_269, %get3A_224 : vector<16xf32>
    %select_n3A_271 = arith.select %lt3A_270, %add3A_265, %select_n3A_262 : vector<16xi1>, vector<16xi32>
    %add3A_272 = arith.constant 4 : i32
    %add3A_273 = vector.broadcast %add3A_272 : i32 to vector<16xi32>
    %add3A_274 = arith.addi %select_n3A_271, %add3A_273 : vector<16xi32>
    %sub3A_275 = arith.constant 1 : i32
    %sub3A_276 = vector.broadcast %sub3A_275 : i32 to vector<16xi32>
    %sub3A_277 = arith.subi %add3A_274, %sub3A_276 : vector<16xi32>
    %gather3A_278 = tpu.vector_load_idx %arg7[%sub3A_277] : memref<255xf32, #tpu.memory_space<vmem>>[vector<16xi32>], vector<16xf32>,
    %lt3A_279 = arith.cmpf olt, %gather3A_278, %get3A_224 : vector<16xf32>
    %select_n3A_280 = arith.select %lt3A_279, %add3A_274, %select_n3A_271 : vector<16xi1>, vector<16xi32>
    %add3A_281 = arith.constant 2 : i32
    %add3A_282 = vector.broadcast %add3A_281 : i32 to vector<16xi32>
    %add3A_283 = arith.addi %select_n3A_280, %add3A_282 : vector<16xi32>
    %sub3A_284 = arith.constant 1 : i32
    %sub3A_285 = vector.broadcast %sub3A_284 : i32 to vector<16xi32>
    %sub3A_286 = arith.subi %add3A_283, %sub3A_285 : vector<16xi32>
    %gather3A_287 = tpu.vector_load_idx %arg7[%sub3A_286] : memref<255xf32, #tpu.memory_space<vmem>>[vector<16xi32>], vector<16xf32>,
    %lt3A_288 = arith.cmpf olt, %gather3A_287, %get3A_224 : vector<16xf32>
    %select_n3A_289 = arith.select %lt3A_288, %add3A_283, %select_n3A_280 : vector<16xi1>, vector<16xi32>
    %add3A_290 = arith.constant 1 : i32
    %add3A_291 = vector.broadcast %add3A_290 : i32 to vector<16xi32>
    %add3A_292 = arith.addi %select_n3A_289, %add3A_291 : vector<16xi32>
    %sub3A_293 = arith.constant 1 : i32
    %sub3A_294 = vector.broadcast %sub3A_293 : i32 to vector<16xi32>
    %sub3A_295 = arith.subi %add3A_292, %sub3A_294 : vector<16xi32>
    %gather3A_296 = tpu.vector_load_idx %arg7[%sub3A_295] : memref<255xf32, #tpu.memory_space<vmem>>[vector<16xi32>], vector<16xf32>,
    %lt3A_297 = arith.cmpf olt, %gather3A_296, %get3A_224 : vector<16xf32>
    %select_n3A_298 = arith.select %lt3A_297, %add3A_292, %select_n3A_289 : vector<16xi1>, vector<16xi32>
    %sub3A_299 = arith.constant 1 : i32
    %sub3A_300 = vector.broadcast %sub3A_299 : i32 to vector<16xi32>
    %sub3A_301 = arith.subi %select_n3A_298, %sub3A_300 : vector<16xi32>
    %max3A_302 = arith.constant 0 : i32
    %max3A_303 = vector.broadcast %max3A_302 : i32 to vector<16xi32>
    %max3A_304 = arith.maxsi %sub3A_301, %max3A_303 : vector<16xi32>
    %min3A_305 = arith.constant 253 : i32
    %min3A_306 = vector.broadcast %min3A_305 : i32 to vector<16xi32>
    %min3A_307 = arith.minsi %max3A_304, %min3A_306 : vector<16xi32>
    %gather3A_308 = tpu.vector_load_idx %arg7[%min3A_307] : memref<255xf32, #tpu.memory_space<vmem>>[vector<16xi32>], vector<16xf32>,
    %add3A_309 = arith.constant 1 : i32
    %add3A_310 = vector.broadcast %add3A_309 : i32 to vector<16xi32>
    %add3A_311 = arith.addi %min3A_307, %add3A_310 : vector<16xi32>
    %gather3A_312 = tpu.vector_load_idx %arg7[%add3A_311] : memref<255xf32, #tpu.memory_space<vmem>>[vector<16xi32>], vector<16xf32>,
    %sub3A_313 = arith.subf %gather3A_312, %get3A_224 : vector<16xf32>
    %sub3A_314 = arith.subf %gather3A_312, %gather3A_308 : vector<16xf32>
    %div3A_315 = arith.divf %sub3A_313, %sub3A_314 : vector<16xf32>
    %max3A_316 = arith.constant 0.000000e+00 : f32
    %max3A_317 = vector.broadcast %max3A_316 : f32 to vector<16xf32>
    %max3A_318 = arith.maximumf %div3A_315, %max3A_317 : vector<16xf32>
    %min3A_319 = arith.constant 1.000000e+00 : f32
    %min3A_320 = vector.broadcast %min3A_319 : f32 to vector<16xf32>
    %min3A_321 = arith.minimumf %max3A_318, %min3A_320 : vector<16xf32>
    %add3A_322 = arith.constant 0 : i32
    %add3A_323 = vector.broadcast %add3A_322 : i32 to vector<16xi32>
    %add3A_324 = arith.addi %iota3A, %add3A_323 : vector<16xi32>
    tpu.vector_store_idx %arg9[%add3A_324, %min3A_307], %min3A_321 : memref<32x255xf32, #tpu.memory_space<vmem>>[vector<16xi32>, vector<16xi32>], vector<16xf32>,
    %add3A_325 = arith.constant 1 : i32
    %add3A_326 = vector.broadcast %add3A_325 : i32 to vector<16xi32>
    %add3A_327 = arith.addi %min3A_307, %add3A_326 : vector<16xi32>
    %sub3A_328 = arith.constant 1.000000e+00 : f32
    %sub3A_329 = vector.broadcast %sub3A_328 : f32 to vector<16xf32>
    %sub3A_330 = arith.subf %sub3A_329, %min3A_321 : vector<16xf32>
    tpu.vector_store_idx %arg9[%add3A_324, %add3A_327], %sub3A_330 : memref<32x255xf32, #tpu.memory_space<vmem>>[vector<16xi32>, vector<16xi32>], vector<16xf32>,
    %swap3A_331 = arith.constant 0 : index
    %swap3A_332 = tpu.vector_load %arg11[%swap3A_331] {strides = array<i32>} : memref<32xi32, #tpu.memory_space<vmem>>, vector<16xi32>,
    tpu.vector_store %arg11[%swap3A_331], %min3A_307 {strides = array<i32>} : memref<32xi32, #tpu.memory_space<vmem>>, vector<16xi32>,
    %get3A_333 = arith.constant 48 : index
    %get3A_334 = tpu.vector_load %arg6[%get3A_333] {strides = array<i32>} : memref<4096xf32, #tpu.memory_space<vmem>>, vector<16xf32>,
    %broadcast_in_dim3A_335 = arith.constant 0 : i32
    %broadcast_in_dim3A_336 = vector.broadcast %broadcast_in_dim3A_335 : i32 to vector<16xi32>
    %add3A_337 = arith.constant 128 : i32
    %add3A_338 = vector.broadcast %add3A_337 : i32 to vector<16xi32>
    %add3A_339 = arith.addi %broadcast_in_dim3A_336, %add3A_338 : vector<16xi32>
    %sub3A_340 = arith.constant 1 : i32
    %sub3A_341 = vector.broadcast %sub3A_340 : i32 to vector<16xi32>
    %sub3A_342 = arith.subi %add3A_339, %sub3A_341 : vector<16xi32>
    %gather3A_343 = tpu.vector_load_idx %arg7[%sub3A_342] : memref<255xf32, #tpu.memory_space<vmem>>[vector<16xi32>], vector<16xf32>,
    %lt3A_344 = arith.cmpf olt, %gather3A_343, %get3A_334 : vector<16xf32>
    %select_n3A_345 = arith.select %lt3A_344, %add3A_339, %broadcast_in_dim3A_336 : vector<16xi1>, vector<16xi32>
    %add3A_346 = arith.constant 64 : i32
    %add3A_347 = vector.broadcast %add3A_346 : i32 to vector<16xi32>
    %add3A_348 = arith.addi %select_n3A_345, %add3A_347 : vector<16xi32>
    %sub3A_349 = arith.constant 1 : i32
    %sub3A_350 = vector.broadcast %sub3A_349 : i32 to vector<16xi32>
    %sub3A_351 = arith.subi %add3A_348, %sub3A_350 : vector<16xi32>
    %gather3A_352 = tpu.vector_load_idx %arg7[%sub3A_351] : memref<255xf32, #tpu.memory_space<vmem>>[vector<16xi32>], vector<16xf32>,
    %lt3A_353 = arith.cmpf olt, %gather3A_352, %get3A_334 : vector<16xf32>
    %select_n3A_354 = arith.select %lt3A_353, %add3A_348, %select_n3A_345 : vector<16xi1>, vector<16xi32>
    %add3A_355 = arith.constant 32 : i32
    %add3A_356 = vector.broadcast %add3A_355 : i32 to vector<16xi32>
    %add3A_357 = arith.addi %select_n3A_354, %add3A_356 : vector<16xi32>
    %sub3A_358 = arith.constant 1 : i32
    %sub3A_359 = vector.broadcast %sub3A_358 : i32 to vector<16xi32>
    %sub3A_360 = arith.subi %add3A_357, %sub3A_359 : vector<16xi32>
    %gather3A_361 = tpu.vector_load_idx %arg7[%sub3A_360] : memref<255xf32, #tpu.memory_space<vmem>>[vector<16xi32>], vector<16xf32>,
    %lt3A_362 = arith.cmpf olt, %gather3A_361, %get3A_334 : vector<16xf32>
    %select_n3A_363 = arith.select %lt3A_362, %add3A_357, %select_n3A_354 : vector<16xi1>, vector<16xi32>
    %add3A_364 = arith.constant 16 : i32
    %add3A_365 = vector.broadcast %add3A_364 : i32 to vector<16xi32>
    %add3A_366 = arith.addi %select_n3A_363, %add3A_365 : vector<16xi32>
    %sub3A_367 = arith.constant 1 : i32
    %sub3A_368 = vector.broadcast %sub3A_367 : i32 to vector<16xi32>
    %sub3A_369 = arith.subi %add3A_366, %sub3A_368 : vector<16xi32>
    %gather3A_370 = tpu.vector_load_idx %arg7[%sub3A_369] : memref<255xf32, #tpu.memory_space<vmem>>[vector<16xi32>], vector<16xf32>,
    %lt3A_371 = arith.cmpf olt, %gather3A_370, %get3A_334 : vector<16xf32>
    %select_n3A_372 = arith.select %lt3A_371, %add3A_366, %select_n3A_363 : vector<16xi1>, vector<16xi32>
    %add3A_373 = arith.constant 8 : i32
    %add3A_374 = vector.broadcast %add3A_373 : i32 to vector<16xi32>
    %add3A_375 = arith.addi %select_n3A_372, %add3A_374 : vector<16xi32>
    %sub3A_376 = arith.constant 1 : i32
    %sub3A_377 = vector.broadcast %sub3A_376 : i32 to vector<16xi32>
    %sub3A_378 = arith.subi %add3A_375, %sub3A_377 : vector<16xi32>
    %gather3A_379 = tpu.vector_load_idx %arg7[%sub3A_378] : memref<255xf32, #tpu.memory_space<vmem>>[vector<16xi32>], vector<16xf32>,
    %lt3A_380 = arith.cmpf olt, %gather3A_379, %get3A_334 : vector<16xf32>
    %select_n3A_381 = arith.select %lt3A_380, %add3A_375, %select_n3A_372 : vector<16xi1>, vector<16xi32>
    %add3A_382 = arith.constant 4 : i32
    %add3A_383 = vector.broadcast %add3A_382 : i32 to vector<16xi32>
    %add3A_384 = arith.addi %select_n3A_381, %add3A_383 : vector<16xi32>
    %sub3A_385 = arith.constant 1 : i32
    %sub3A_386 = vector.broadcast %sub3A_385 : i32 to vector<16xi32>
    %sub3A_387 = arith.subi %add3A_384, %sub3A_386 : vector<16xi32>
    %gather3A_388 = tpu.vector_load_idx %arg7[%sub3A_387] : memref<255xf32, #tpu.memory_space<vmem>>[vector<16xi32>], vector<16xf32>,
    %lt3A_389 = arith.cmpf olt, %gather3A_388, %get3A_334 : vector<16xf32>
    %select_n3A_390 = arith.select %lt3A_389, %add3A_384, %select_n3A_381 : vector<16xi1>, vector<16xi32>
    %add3A_391 = arith.constant 2 : i32
    %add3A_392 = vector.broadcast %add3A_391 : i32 to vector<16xi32>
    %add3A_393 = arith.addi %select_n3A_390, %add3A_392 : vector<16xi32>
    %sub3A_394 = arith.constant 1 : i32
    %sub3A_395 = vector.broadcast %sub3A_394 : i32 to vector<16xi32>
    %sub3A_396 = arith.subi %add3A_393, %sub3A_395 : vector<16xi32>
    %gather3A_397 = tpu.vector_load_idx %arg7[%sub3A_396] : memref<255xf32, #tpu.memory_space<vmem>>[vector<16xi32>], vector<16xf32>,
    %lt3A_398 = arith.cmpf olt, %gather3A_397, %get3A_334 : vector<16xf32>
    %select_n3A_399 = arith.select %lt3A_398, %add3A_393, %select_n3A_390 : vector<16xi1>, vector<16xi32>
    %add3A_400 = arith.constant 1 : i32
    %add3A_401 = vector.broadcast %add3A_400 : i32 to vector<16xi32>
    %add3A_402 = arith.addi %select_n3A_399, %add3A_401 : vector<16xi32>
    %sub3A_403 = arith.constant 1 : i32
    %sub3A_404 = vector.broadcast %sub3A_403 : i32 to vector<16xi32>
    %sub3A_405 = arith.subi %add3A_402, %sub3A_404 : vector<16xi32>
    %gather3A_406 = tpu.vector_load_idx %arg7[%sub3A_405] : memref<255xf32, #tpu.memory_space<vmem>>[vector<16xi32>], vector<16xf32>,
    %lt3A_407 = arith.cmpf olt, %gather3A_406, %get3A_334 : vector<16xf32>
    %select_n3A_408 = arith.select %lt3A_407, %add3A_402, %select_n3A_399 : vector<16xi1>, vector<16xi32>
    %sub3A_409 = arith.constant 1 : i32
    %sub3A_410 = vector.broadcast %sub3A_409 : i32 to vector<16xi32>
    %sub3A_411 = arith.subi %select_n3A_408, %sub3A_410 : vector<16xi32>
    %max3A_412 = arith.constant 0 : i32
    %max3A_413 = vector.broadcast %max3A_412 : i32 to vector<16xi32>
    %max3A_414 = arith.maxsi %sub3A_411, %max3A_413 : vector<16xi32>
    %min3A_415 = arith.constant 253 : i32
    %min3A_416 = vector.broadcast %min3A_415 : i32 to vector<16xi32>
    %min3A_417 = arith.minsi %max3A_414, %min3A_416 : vector<16xi32>
    %gather3A_418 = tpu.vector_load_idx %arg7[%min3A_417] : memref<255xf32, #tpu.memory_space<vmem>>[vector<16xi32>], vector<16xf32>,
    %add3A_419 = arith.constant 1 : i32
    %add3A_420 = vector.broadcast %add3A_419 : i32 to vector<16xi32>
    %add3A_421 = arith.addi %min3A_417, %add3A_420 : vector<16xi32>
    %gather3A_422 = tpu.vector_load_idx %arg7[%add3A_421] : memref<255xf32, #tpu.memory_space<vmem>>[vector<16xi32>], vector<16xf32>,
    %sub3A_423 = arith.subf %gather3A_422, %get3A_334 : vector<16xf32>
    %sub3A_424 = arith.subf %gather3A_422, %gather3A_418 : vector<16xf32>
    %div3A_425 = arith.divf %sub3A_423, %sub3A_424 : vector<16xf32>
    %max3A_426 = arith.constant 0.000000e+00 : f32
    %max3A_427 = vector.broadcast %max3A_426 : f32 to vector<16xf32>
    %max3A_428 = arith.maximumf %div3A_425, %max3A_427 : vector<16xf32>
    %min3A_429 = arith.constant 1.000000e+00 : f32
    %min3A_430 = vector.broadcast %min3A_429 : f32 to vector<16xf32>
    %min3A_431 = arith.minimumf %max3A_428, %min3A_430 : vector<16xf32>
    %add3A_432 = arith.constant 16 : i32
    %add3A_433 = vector.broadcast %add3A_432 : i32 to vector<16xi32>
    %add3A_434 = arith.addi %iota3A, %add3A_433 : vector<16xi32>
    tpu.vector_store_idx %arg9[%add3A_434, %min3A_417], %min3A_431 : memref<32x255xf32, #tpu.memory_space<vmem>>[vector<16xi32>, vector<16xi32>], vector<16xf32>,
    %add3A_435 = arith.constant 1 : i32
    %add3A_436 = vector.broadcast %add3A_435 : i32 to vector<16xi32>
    %add3A_437 = arith.addi %min3A_417, %add3A_436 : vector<16xi32>
    %sub3A_438 = arith.constant 1.000000e+00 : f32
    %sub3A_439 = vector.broadcast %sub3A_438 : f32 to vector<16xf32>
    %sub3A_440 = arith.subf %sub3A_439, %min3A_431 : vector<16xf32>
    tpu.vector_store_idx %arg9[%add3A_434, %add3A_437], %sub3A_440 : memref<32x255xf32, #tpu.memory_space<vmem>>[vector<16xi32>, vector<16xi32>], vector<16xf32>,
    %swap3A_441 = arith.constant 16 : index
    %swap3A_442 = tpu.vector_load %arg11[%swap3A_441] {strides = array<i32>} : memref<32xi32, #tpu.memory_space<vmem>>, vector<16xi32>,
    tpu.vector_store %arg11[%swap3A_441], %min3A_417 {strides = array<i32>} : memref<32xi32, #tpu.memory_space<vmem>>, vector<16xi32>,
    %add3A_443 = arith.constant 32 : i32
    %add3A_444 = arith.addi %mul3A_2, %add3A_443 : i32
    %dma_start3A_445 = arith.constant 0 : i32
    %dma_start3A_446 = tpu.memref_slice %arg5[%add3A_444, %dma_start3A_445] : memref<131072x255xf32, #tpu.memory_space<hbm>> -> memref<32x255xf32, #tpu.memory_space<hbm>>
    %dma_start3A_447 = arith.constant 0 : i32
    %dma_start3A_448 = tpu.memref_slice %arg5[%add3A_444, %dma_start3A_447] : memref<131072x255xf32, #tpu.memory_space<hbm>> -> memref<32x255xf32, #tpu.memory_space<hbm>>
    tpu.enqueue_dma source(%arg9 : memref<32x255xf32, #tpu.memory_space<vmem>>) target(%dma_start3A_448 : memref<32x255xf32, #tpu.memory_space<hbm>>) target_semaphore(%arg13 : memref<!tpu.dma_semaphore, #tpu.memory_space<semaphore_mem>>)
    %scan3A = arith.constant 0 : i32
    %scan3A_449 = arith.constant 1 : i32
    %scan3A_450 = arith.constant 63 : i32
    %scan3A_451 = arith.addi %scan3A_449, %scan3A_450 : i32
    %scan3A_452 = arith.constant 1 : i32
    scf.for %scan3A_466 = %scan3A_449 to %scan3A_451 step %scan3A_452  : i32 {
      %mul3A_467 = arith.constant 2 : i32
      %mul3A_468 = arith.muli %scan3A_466, %mul3A_467 : i32
      %add3A_469 = arith.constant 0 : i32
      %add3A_470 = arith.addi %mul3A_468, %add3A_469 : i32
      %sub3A_471 = arith.constant 2 : i32
      %sub3A_472 = arith.subi %add3A_470, %sub3A_471 : i32
      %mul3A_473 = arith.constant 32 : i32
      %mul3A_474 = arith.muli %sub3A_472, %mul3A_473 : i32
      %add3A_475 = arith.addi %mul3A_2, %mul3A_474 : i32
      %dma_wait3A_476 = arith.constant 0 : i32
      %dma_wait3A_477 = tpu.memref_slice %arg5[%add3A_475, %dma_wait3A_476] : memref<131072x255xf32, #tpu.memory_space<hbm>> -> memref<32x255xf32, #tpu.memory_space<hbm>>
      %dma_wait3A_478 = arith.constant 0 : i32
      %dma_wait3A_479 = tpu.memref_slice %arg5[%add3A_475, %dma_wait3A_478] : memref<131072x255xf32, #tpu.memory_space<hbm>> -> memref<32x255xf32, #tpu.memory_space<hbm>>
      tpu.wait_dma2 semaphore(%arg12 : memref<!tpu.dma_semaphore, #tpu.memory_space<semaphore_mem>>) src(%arg8 : memref<32x255xf32, #tpu.memory_space<vmem>>) dst(%dma_wait3A_479 : memref<32x255xf32, #tpu.memory_space<hbm>>)
      %get3A_480 = arith.constant 0 : index
      %get3A_481 = tpu.vector_load %arg10[%get3A_480] {strides = array<i32>} : memref<32xi32, #tpu.memory_space<vmem>>, vector<16xi32>,
      %add3A_482 = arith.constant 0 : i32
      %add3A_483 = vector.broadcast %add3A_482 : i32 to vector<16xi32>
      %add3A_484 = arith.addi %iota3A, %add3A_483 : vector<16xi32>
      tpu.vector_store_idx %arg8[%add3A_484, %get3A_481], %broadcast_in_dim3A_4 : memref<32x255xf32, #tpu.memory_space<vmem>>[vector<16xi32>, vector<16xi32>], vector<16xf32>,
      %add3A_485 = arith.constant 1 : i32
      %add3A_486 = vector.broadcast %add3A_485 : i32 to vector<16xi32>
      %add3A_487 = arith.addi %get3A_481, %add3A_486 : vector<16xi32>
      tpu.vector_store_idx %arg8[%add3A_484, %add3A_487], %broadcast_in_dim3A_4 : memref<32x255xf32, #tpu.memory_space<vmem>>[vector<16xi32>, vector<16xi32>], vector<16xf32>,
      %get3A_488 = arith.constant 16 : index
      %get3A_489 = tpu.vector_load %arg10[%get3A_488] {strides = array<i32>} : memref<32xi32, #tpu.memory_space<vmem>>, vector<16xi32>,
      %add3A_490 = arith.constant 16 : i32
      %add3A_491 = vector.broadcast %add3A_490 : i32 to vector<16xi32>
      %add3A_492 = arith.addi %iota3A, %add3A_491 : vector<16xi32>
      tpu.vector_store_idx %arg8[%add3A_492, %get3A_489], %broadcast_in_dim3A_4 : memref<32x255xf32, #tpu.memory_space<vmem>>[vector<16xi32>, vector<16xi32>], vector<16xf32>,
      %add3A_493 = arith.constant 1 : i32
      %add3A_494 = vector.broadcast %add3A_493 : i32 to vector<16xi32>
      %add3A_495 = arith.addi %get3A_489, %add3A_494 : vector<16xi32>
      tpu.vector_store_idx %arg8[%add3A_492, %add3A_495], %broadcast_in_dim3A_4 : memref<32x255xf32, #tpu.memory_space<vmem>>[vector<16xi32>, vector<16xi32>], vector<16xf32>,
      %mul3A_496 = arith.constant 32 : i32
      %mul3A_497 = arith.muli %add3A_470, %mul3A_496 : i32
      %add3A_498 = arith.constant 0 : i32
      %add3A_499 = arith.addi %mul3A_497, %add3A_498 : i32
      %get3A_500 = arith.index_cast %add3A_499 : i32 to index
      %get3A_501 = tpu.vector_load %arg6[%get3A_500] {strides = array<i32>} : memref<4096xf32, #tpu.memory_space<vmem>>, vector<16xf32>,
      %broadcast_in_dim3A_502 = arith.constant 0 : i32
      %broadcast_in_dim3A_503 = vector.broadcast %broadcast_in_dim3A_502 : i32 to vector<16xi32>
      %add3A_504 = arith.constant 128 : i32
      %add3A_505 = vector.broadcast %add3A_504 : i32 to vector<16xi32>
      %add3A_506 = arith.addi %broadcast_in_dim3A_503, %add3A_505 : vector<16xi32>
      %sub3A_507 = arith.constant 1 : i32
      %sub3A_508 = vector.broadcast %sub3A_507 : i32 to vector<16xi32>
      %sub3A_509 = arith.subi %add3A_506, %sub3A_508 : vector<16xi32>
      %gather3A_510 = tpu.vector_load_idx %arg7[%sub3A_509] : memref<255xf32, #tpu.memory_space<vmem>>[vector<16xi32>], vector<16xf32>,
      %lt3A_511 = arith.cmpf olt, %gather3A_510, %get3A_501 : vector<16xf32>
      %select_n3A_512 = arith.select %lt3A_511, %add3A_506, %broadcast_in_dim3A_503 : vector<16xi1>, vector<16xi32>
      %add3A_513 = arith.constant 64 : i32
      %add3A_514 = vector.broadcast %add3A_513 : i32 to vector<16xi32>
      %add3A_515 = arith.addi %select_n3A_512, %add3A_514 : vector<16xi32>
      %sub3A_516 = arith.constant 1 : i32
      %sub3A_517 = vector.broadcast %sub3A_516 : i32 to vector<16xi32>
      %sub3A_518 = arith.subi %add3A_515, %sub3A_517 : vector<16xi32>
      %gather3A_519 = tpu.vector_load_idx %arg7[%sub3A_518] : memref<255xf32, #tpu.memory_space<vmem>>[vector<16xi32>], vector<16xf32>,
      %lt3A_520 = arith.cmpf olt, %gather3A_519, %get3A_501 : vector<16xf32>
      %select_n3A_521 = arith.select %lt3A_520, %add3A_515, %select_n3A_512 : vector<16xi1>, vector<16xi32>
      %add3A_522 = arith.constant 32 : i32
      %add3A_523 = vector.broadcast %add3A_522 : i32 to vector<16xi32>
      %add3A_524 = arith.addi %select_n3A_521, %add3A_523 : vector<16xi32>
      %sub3A_525 = arith.constant 1 : i32
      %sub3A_526 = vector.broadcast %sub3A_525 : i32 to vector<16xi32>
      %sub3A_527 = arith.subi %add3A_524, %sub3A_526 : vector<16xi32>
      %gather3A_528 = tpu.vector_load_idx %arg7[%sub3A_527] : memref<255xf32, #tpu.memory_space<vmem>>[vector<16xi32>], vector<16xf32>,
      %lt3A_529 = arith.cmpf olt, %gather3A_528, %get3A_501 : vector<16xf32>
      %select_n3A_530 = arith.select %lt3A_529, %add3A_524, %select_n3A_521 : vector<16xi1>, vector<16xi32>
      %add3A_531 = arith.constant 16 : i32
      %add3A_532 = vector.broadcast %add3A_531 : i32 to vector<16xi32>
      %add3A_533 = arith.addi %select_n3A_530, %add3A_532 : vector<16xi32>
      %sub3A_534 = arith.constant 1 : i32
      %sub3A_535 = vector.broadcast %sub3A_534 : i32 to vector<16xi32>
      %sub3A_536 = arith.subi %add3A_533, %sub3A_535 : vector<16xi32>
      %gather3A_537 = tpu.vector_load_idx %arg7[%sub3A_536] : memref<255xf32, #tpu.memory_space<vmem>>[vector<16xi32>], vector<16xf32>,
      %lt3A_538 = arith.cmpf olt, %gather3A_537, %get3A_501 : vector<16xf32>
      %select_n3A_539 = arith.select %lt3A_538, %add3A_533, %select_n3A_530 : vector<16xi1>, vector<16xi32>
      %add3A_540 = arith.constant 8 : i32
      %add3A_541 = vector.broadcast %add3A_540 : i32 to vector<16xi32>
      %add3A_542 = arith.addi %select_n3A_539, %add3A_541 : vector<16xi32>
      %sub3A_543 = arith.constant 1 : i32
      %sub3A_544 = vector.broadcast %sub3A_543 : i32 to vector<16xi32>
      %sub3A_545 = arith.subi %add3A_542, %sub3A_544 : vector<16xi32>
      %gather3A_546 = tpu.vector_load_idx %arg7[%sub3A_545] : memref<255xf32, #tpu.memory_space<vmem>>[vector<16xi32>], vector<16xf32>,
      %lt3A_547 = arith.cmpf olt, %gather3A_546, %get3A_501 : vector<16xf32>
      %select_n3A_548 = arith.select %lt3A_547, %add3A_542, %select_n3A_539 : vector<16xi1>, vector<16xi32>
      %add3A_549 = arith.constant 4 : i32
      %add3A_550 = vector.broadcast %add3A_549 : i32 to vector<16xi32>
      %add3A_551 = arith.addi %select_n3A_548, %add3A_550 : vector<16xi32>
      %sub3A_552 = arith.constant 1 : i32
      %sub3A_553 = vector.broadcast %sub3A_552 : i32 to vector<16xi32>
      %sub3A_554 = arith.subi %add3A_551, %sub3A_553 : vector<16xi32>
      %gather3A_555 = tpu.vector_load_idx %arg7[%sub3A_554] : memref<255xf32, #tpu.memory_space<vmem>>[vector<16xi32>], vector<16xf32>,
      %lt3A_556 = arith.cmpf olt, %gather3A_555, %get3A_501 : vector<16xf32>
      %select_n3A_557 = arith.select %lt3A_556, %add3A_551, %select_n3A_548 : vector<16xi1>, vector<16xi32>
      %add3A_558 = arith.constant 2 : i32
      %add3A_559 = vector.broadcast %add3A_558 : i32 to vector<16xi32>
      %add3A_560 = arith.addi %select_n3A_557, %add3A_559 : vector<16xi32>
      %sub3A_561 = arith.constant 1 : i32
      %sub3A_562 = vector.broadcast %sub3A_561 : i32 to vector<16xi32>
      %sub3A_563 = arith.subi %add3A_560, %sub3A_562 : vector<16xi32>
      %gather3A_564 = tpu.vector_load_idx %arg7[%sub3A_563] : memref<255xf32, #tpu.memory_space<vmem>>[vector<16xi32>], vector<16xf32>,
      %lt3A_565 = arith.cmpf olt, %gather3A_564, %get3A_501 : vector<16xf32>
      %select_n3A_566 = arith.select %lt3A_565, %add3A_560, %select_n3A_557 : vector<16xi1>, vector<16xi32>
      %add3A_567 = arith.constant 1 : i32
      %add3A_568 = vector.broadcast %add3A_567 : i32 to vector<16xi32>
      %add3A_569 = arith.addi %select_n3A_566, %add3A_568 : vector<16xi32>
      %sub3A_570 = arith.constant 1 : i32
      %sub3A_571 = vector.broadcast %sub3A_570 : i32 to vector<16xi32>
      %sub3A_572 = arith.subi %add3A_569, %sub3A_571 : vector<16xi32>
      %gather3A_573 = tpu.vector_load_idx %arg7[%sub3A_572] : memref<255xf32, #tpu.memory_space<vmem>>[vector<16xi32>], vector<16xf32>,
      %lt3A_574 = arith.cmpf olt, %gather3A_573, %get3A_501 : vector<16xf32>
      %select_n3A_575 = arith.select %lt3A_574, %add3A_569, %select_n3A_566 : vector<16xi1>, vector<16xi32>
      %sub3A_576 = arith.constant 1 : i32
      %sub3A_577 = vector.broadcast %sub3A_576 : i32 to vector<16xi32>
      %sub3A_578 = arith.subi %select_n3A_575, %sub3A_577 : vector<16xi32>
      %max3A_579 = arith.constant 0 : i32
      %max3A_580 = vector.broadcast %max3A_579 : i32 to vector<16xi32>
      %max3A_581 = arith.maxsi %sub3A_578, %max3A_580 : vector<16xi32>
      %min3A_582 = arith.constant 253 : i32
      %min3A_583 = vector.broadcast %min3A_582 : i32 to vector<16xi32>
      %min3A_584 = arith.minsi %max3A_581, %min3A_583 : vector<16xi32>
      %gather3A_585 = tpu.vector_load_idx %arg7[%min3A_584] : memref<255xf32, #tpu.memory_space<vmem>>[vector<16xi32>], vector<16xf32>,
      %add3A_586 = arith.constant 1 : i32
      %add3A_587 = vector.broadcast %add3A_586 : i32 to vector<16xi32>
      %add3A_588 = arith.addi %min3A_584, %add3A_587 : vector<16xi32>
      %gather3A_589 = tpu.vector_load_idx %arg7[%add3A_588] : memref<255xf32, #tpu.memory_space<vmem>>[vector<16xi32>], vector<16xf32>,
      %sub3A_590 = arith.subf %gather3A_589, %get3A_501 : vector<16xf32>
      %sub3A_591 = arith.subf %gather3A_589, %gather3A_585 : vector<16xf32>
      %div3A_592 = arith.divf %sub3A_590, %sub3A_591 : vector<16xf32>
      %max3A_593 = arith.constant 0.000000e+00 : f32
      %max3A_594 = vector.broadcast %max3A_593 : f32 to vector<16xf32>
      %max3A_595 = arith.maximumf %div3A_592, %max3A_594 : vector<16xf32>
      %min3A_596 = arith.constant 1.000000e+00 : f32
      %min3A_597 = vector.broadcast %min3A_596 : f32 to vector<16xf32>
      %min3A_598 = arith.minimumf %max3A_595, %min3A_597 : vector<16xf32>
      %add3A_599 = arith.constant 0 : i32
      %add3A_600 = vector.broadcast %add3A_599 : i32 to vector<16xi32>
      %add3A_601 = arith.addi %iota3A, %add3A_600 : vector<16xi32>
      tpu.vector_store_idx %arg8[%add3A_601, %min3A_584], %min3A_598 : memref<32x255xf32, #tpu.memory_space<vmem>>[vector<16xi32>, vector<16xi32>], vector<16xf32>,
      %add3A_602 = arith.constant 1 : i32
      %add3A_603 = vector.broadcast %add3A_602 : i32 to vector<16xi32>
      %add3A_604 = arith.addi %min3A_584, %add3A_603 : vector<16xi32>
      %sub3A_605 = arith.constant 1.000000e+00 : f32
      %sub3A_606 = vector.broadcast %sub3A_605 : f32 to vector<16xf32>
      %sub3A_607 = arith.subf %sub3A_606, %min3A_598 : vector<16xf32>
      tpu.vector_store_idx %arg8[%add3A_601, %add3A_604], %sub3A_607 : memref<32x255xf32, #tpu.memory_space<vmem>>[vector<16xi32>, vector<16xi32>], vector<16xf32>,
      %swap3A_608 = arith.constant 0 : index
      %swap3A_609 = tpu.vector_load %arg10[%swap3A_608] {strides = array<i32>} : memref<32xi32, #tpu.memory_space<vmem>>, vector<16xi32>,
      tpu.vector_store %arg10[%swap3A_608], %min3A_584 {strides = array<i32>} : memref<32xi32, #tpu.memory_space<vmem>>, vector<16xi32>,
      %mul3A_610 = arith.constant 32 : i32
      %mul3A_611 = arith.muli %add3A_470, %mul3A_610 : i32
      %add3A_612 = arith.constant 16 : i32
      %add3A_613 = arith.addi %mul3A_611, %add3A_612 : i32
      %get3A_614 = arith.index_cast %add3A_613 : i32 to index
      %get3A_615 = tpu.vector_load %arg6[%get3A_614] {strides = array<i32>} : memref<4096xf32, #tpu.memory_space<vmem>>, vector<16xf32>,
      %broadcast_in_dim3A_616 = arith.constant 0 : i32
      %broadcast_in_dim3A_617 = vector.broadcast %broadcast_in_dim3A_616 : i32 to vector<16xi32>
      %add3A_618 = arith.constant 128 : i32
      %add3A_619 = vector.broadcast %add3A_618 : i32 to vector<16xi32>
      %add3A_620 = arith.addi %broadcast_in_dim3A_617, %add3A_619 : vector<16xi32>
      %sub3A_621 = arith.constant 1 : i32
      %sub3A_622 = vector.broadcast %sub3A_621 : i32 to vector<16xi32>
      %sub3A_623 = arith.subi %add3A_620, %sub3A_622 : vector<16xi32>
      %gather3A_624 = tpu.vector_load_idx %arg7[%sub3A_623] : memref<255xf32, #tpu.memory_space<vmem>>[vector<16xi32>], vector<16xf32>,
      %lt3A_625 = arith.cmpf olt, %gather3A_624, %get3A_615 : vector<16xf32>
      %select_n3A_626 = arith.select %lt3A_625, %add3A_620, %broadcast_in_dim3A_617 : vector<16xi1>, vector<16xi32>
      %add3A_627 = arith.constant 64 : i32
      %add3A_628 = vector.broadcast %add3A_627 : i32 to vector<16xi32>
      %add3A_629 = arith.addi %select_n3A_626, %add3A_628 : vector<16xi32>
      %sub3A_630 = arith.constant 1 : i32
      %sub3A_631 = vector.broadcast %sub3A_630 : i32 to vector<16xi32>
      %sub3A_632 = arith.subi %add3A_629, %sub3A_631 : vector<16xi32>
      %gather3A_633 = tpu.vector_load_idx %arg7[%sub3A_632] : memref<255xf32, #tpu.memory_space<vmem>>[vector<16xi32>], vector<16xf32>,
      %lt3A_634 = arith.cmpf olt, %gather3A_633, %get3A_615 : vector<16xf32>
      %select_n3A_635 = arith.select %lt3A_634, %add3A_629, %select_n3A_626 : vector<16xi1>, vector<16xi32>
      %add3A_636 = arith.constant 32 : i32
      %add3A_637 = vector.broadcast %add3A_636 : i32 to vector<16xi32>
      %add3A_638 = arith.addi %select_n3A_635, %add3A_637 : vector<16xi32>
      %sub3A_639 = arith.constant 1 : i32
      %sub3A_640 = vector.broadcast %sub3A_639 : i32 to vector<16xi32>
      %sub3A_641 = arith.subi %add3A_638, %sub3A_640 : vector<16xi32>
      %gather3A_642 = tpu.vector_load_idx %arg7[%sub3A_641] : memref<255xf32, #tpu.memory_space<vmem>>[vector<16xi32>], vector<16xf32>,
      %lt3A_643 = arith.cmpf olt, %gather3A_642, %get3A_615 : vector<16xf32>
      %select_n3A_644 = arith.select %lt3A_643, %add3A_638, %select_n3A_635 : vector<16xi1>, vector<16xi32>
      %add3A_645 = arith.constant 16 : i32
      %add3A_646 = vector.broadcast %add3A_645 : i32 to vector<16xi32>
      %add3A_647 = arith.addi %select_n3A_644, %add3A_646 : vector<16xi32>
      %sub3A_648 = arith.constant 1 : i32
      %sub3A_649 = vector.broadcast %sub3A_648 : i32 to vector<16xi32>
      %sub3A_650 = arith.subi %add3A_647, %sub3A_649 : vector<16xi32>
      %gather3A_651 = tpu.vector_load_idx %arg7[%sub3A_650] : memref<255xf32, #tpu.memory_space<vmem>>[vector<16xi32>], vector<16xf32>,
      %lt3A_652 = arith.cmpf olt, %gather3A_651, %get3A_615 : vector<16xf32>
      %select_n3A_653 = arith.select %lt3A_652, %add3A_647, %select_n3A_644 : vector<16xi1>, vector<16xi32>
      %add3A_654 = arith.constant 8 : i32
      %add3A_655 = vector.broadcast %add3A_654 : i32 to vector<16xi32>
      %add3A_656 = arith.addi %select_n3A_653, %add3A_655 : vector<16xi32>
      %sub3A_657 = arith.constant 1 : i32
      %sub3A_658 = vector.broadcast %sub3A_657 : i32 to vector<16xi32>
      %sub3A_659 = arith.subi %add3A_656, %sub3A_658 : vector<16xi32>
      %gather3A_660 = tpu.vector_load_idx %arg7[%sub3A_659] : memref<255xf32, #tpu.memory_space<vmem>>[vector<16xi32>], vector<16xf32>,
      %lt3A_661 = arith.cmpf olt, %gather3A_660, %get3A_615 : vector<16xf32>
      %select_n3A_662 = arith.select %lt3A_661, %add3A_656, %select_n3A_653 : vector<16xi1>, vector<16xi32>
      %add3A_663 = arith.constant 4 : i32
      %add3A_664 = vector.broadcast %add3A_663 : i32 to vector<16xi32>
      %add3A_665 = arith.addi %select_n3A_662, %add3A_664 : vector<16xi32>
      %sub3A_666 = arith.constant 1 : i32
      %sub3A_667 = vector.broadcast %sub3A_666 : i32 to vector<16xi32>
      %sub3A_668 = arith.subi %add3A_665, %sub3A_667 : vector<16xi32>
      %gather3A_669 = tpu.vector_load_idx %arg7[%sub3A_668] : memref<255xf32, #tpu.memory_space<vmem>>[vector<16xi32>], vector<16xf32>,
      %lt3A_670 = arith.cmpf olt, %gather3A_669, %get3A_615 : vector<16xf32>
      %select_n3A_671 = arith.select %lt3A_670, %add3A_665, %select_n3A_662 : vector<16xi1>, vector<16xi32>
      %add3A_672 = arith.constant 2 : i32
      %add3A_673 = vector.broadcast %add3A_672 : i32 to vector<16xi32>
      %add3A_674 = arith.addi %select_n3A_671, %add3A_673 : vector<16xi32>
      %sub3A_675 = arith.constant 1 : i32
      %sub3A_676 = vector.broadcast %sub3A_675 : i32 to vector<16xi32>
      %sub3A_677 = arith.subi %add3A_674, %sub3A_676 : vector<16xi32>
      %gather3A_678 = tpu.vector_load_idx %arg7[%sub3A_677] : memref<255xf32, #tpu.memory_space<vmem>>[vector<16xi32>], vector<16xf32>,
      %lt3A_679 = arith.cmpf olt, %gather3A_678, %get3A_615 : vector<16xf32>
      %select_n3A_680 = arith.select %lt3A_679, %add3A_674, %select_n3A_671 : vector<16xi1>, vector<16xi32>
      %add3A_681 = arith.constant 1 : i32
      %add3A_682 = vector.broadcast %add3A_681 : i32 to vector<16xi32>
      %add3A_683 = arith.addi %select_n3A_680, %add3A_682 : vector<16xi32>
      %sub3A_684 = arith.constant 1 : i32
      %sub3A_685 = vector.broadcast %sub3A_684 : i32 to vector<16xi32>
      %sub3A_686 = arith.subi %add3A_683, %sub3A_685 : vector<16xi32>
      %gather3A_687 = tpu.vector_load_idx %arg7[%sub3A_686] : memref<255xf32, #tpu.memory_space<vmem>>[vector<16xi32>], vector<16xf32>,
      %lt3A_688 = arith.cmpf olt, %gather3A_687, %get3A_615 : vector<16xf32>
      %select_n3A_689 = arith.select %lt3A_688, %add3A_683, %select_n3A_680 : vector<16xi1>, vector<16xi32>
      %sub3A_690 = arith.constant 1 : i32
      %sub3A_691 = vector.broadcast %sub3A_690 : i32 to vector<16xi32>
      %sub3A_692 = arith.subi %select_n3A_689, %sub3A_691 : vector<16xi32>
      %max3A_693 = arith.constant 0 : i32
      %max3A_694 = vector.broadcast %max3A_693 : i32 to vector<16xi32>
      %max3A_695 = arith.maxsi %sub3A_692, %max3A_694 : vector<16xi32>
      %min3A_696 = arith.constant 253 : i32
      %min3A_697 = vector.broadcast %min3A_696 : i32 to vector<16xi32>
      %min3A_698 = arith.minsi %max3A_695, %min3A_697 : vector<16xi32>
      %gather3A_699 = tpu.vector_load_idx %arg7[%min3A_698] : memref<255xf32, #tpu.memory_space<vmem>>[vector<16xi32>], vector<16xf32>,
      %add3A_700 = arith.constant 1 : i32
      %add3A_701 = vector.broadcast %add3A_700 : i32 to vector<16xi32>
      %add3A_702 = arith.addi %min3A_698, %add3A_701 : vector<16xi32>
      %gather3A_703 = tpu.vector_load_idx %arg7[%add3A_702] : memref<255xf32, #tpu.memory_space<vmem>>[vector<16xi32>], vector<16xf32>,
      %sub3A_704 = arith.subf %gather3A_703, %get3A_615 : vector<16xf32>
      %sub3A_705 = arith.subf %gather3A_703, %gather3A_699 : vector<16xf32>
      %div3A_706 = arith.divf %sub3A_704, %sub3A_705 : vector<16xf32>
      %max3A_707 = arith.constant 0.000000e+00 : f32
      %max3A_708 = vector.broadcast %max3A_707 : f32 to vector<16xf32>
      %max3A_709 = arith.maximumf %div3A_706, %max3A_708 : vector<16xf32>
      %min3A_710 = arith.constant 1.000000e+00 : f32
      %min3A_711 = vector.broadcast %min3A_710 : f32 to vector<16xf32>
      %min3A_712 = arith.minimumf %max3A_709, %min3A_711 : vector<16xf32>
      %add3A_713 = arith.constant 16 : i32
      %add3A_714 = vector.broadcast %add3A_713 : i32 to vector<16xi32>
      %add3A_715 = arith.addi %iota3A, %add3A_714 : vector<16xi32>
      tpu.vector_store_idx %arg8[%add3A_715, %min3A_698], %min3A_712 : memref<32x255xf32, #tpu.memory_space<vmem>>[vector<16xi32>, vector<16xi32>], vector<16xf32>,
      %add3A_716 = arith.constant 1 : i32
      %add3A_717 = vector.broadcast %add3A_716 : i32 to vector<16xi32>
      %add3A_718 = arith.addi %min3A_698, %add3A_717 : vector<16xi32>
      %sub3A_719 = arith.constant 1.000000e+00 : f32
      %sub3A_720 = vector.broadcast %sub3A_719 : f32 to vector<16xf32>
      %sub3A_721 = arith.subf %sub3A_720, %min3A_712 : vector<16xf32>
      tpu.vector_store_idx %arg8[%add3A_715, %add3A_718], %sub3A_721 : memref<32x255xf32, #tpu.memory_space<vmem>>[vector<16xi32>, vector<16xi32>], vector<16xf32>,
      %swap3A_722 = arith.constant 16 : index
      %swap3A_723 = tpu.vector_load %arg10[%swap3A_722] {strides = array<i32>} : memref<32xi32, #tpu.memory_space<vmem>>, vector<16xi32>,
      tpu.vector_store %arg10[%swap3A_722], %min3A_698 {strides = array<i32>} : memref<32xi32, #tpu.memory_space<vmem>>, vector<16xi32>,
      %mul3A_724 = arith.constant 32 : i32
      %mul3A_725 = arith.muli %add3A_470, %mul3A_724 : i32
      %add3A_726 = arith.addi %mul3A_2, %mul3A_725 : i32
      %dma_start3A_727 = arith.constant 0 : i32
      %dma_start3A_728 = tpu.memref_slice %arg5[%add3A_726, %dma_start3A_727] : memref<131072x255xf32, #tpu.memory_space<hbm>> -> memref<32x255xf32, #tpu.memory_space<hbm>>
      %dma_start3A_729 = arith.constant 0 : i32
      %dma_start3A_730 = tpu.memref_slice %arg5[%add3A_726, %dma_start3A_729] : memref<131072x255xf32, #tpu.memory_space<hbm>> -> memref<32x255xf32, #tpu.memory_space<hbm>>
      tpu.enqueue_dma source(%arg8 : memref<32x255xf32, #tpu.memory_space<vmem>>) target(%dma_start3A_730 : memref<32x255xf32, #tpu.memory_space<hbm>>) target_semaphore(%arg12 : memref<!tpu.dma_semaphore, #tpu.memory_space<semaphore_mem>>)
      %mul3A_731 = arith.constant 2 : i32
      %mul3A_732 = arith.muli %scan3A_466, %mul3A_731 : i32
      %add3A_733 = arith.constant 1 : i32
      %add3A_734 = arith.addi %mul3A_732, %add3A_733 : i32
      %sub3A_735 = arith.constant 2 : i32
      %sub3A_736 = arith.subi %add3A_734, %sub3A_735 : i32
      %mul3A_737 = arith.constant 32 : i32
      %mul3A_738 = arith.muli %sub3A_736, %mul3A_737 : i32
      %add3A_739 = arith.addi %mul3A_2, %mul3A_738 : i32
      %dma_wait3A_740 = arith.constant 0 : i32
      %dma_wait3A_741 = tpu.memref_slice %arg5[%add3A_739, %dma_wait3A_740] : memref<131072x255xf32, #tpu.memory_space<hbm>> -> memref<32x255xf32, #tpu.memory_space<hbm>>
      %dma_wait3A_742 = arith.constant 0 : i32
      %dma_wait3A_743 = tpu.memref_slice %arg5[%add3A_739, %dma_wait3A_742] : memref<131072x255xf32, #tpu.memory_space<hbm>> -> memref<32x255xf32, #tpu.memory_space<hbm>>
      tpu.wait_dma2 semaphore(%arg13 : memref<!tpu.dma_semaphore, #tpu.memory_space<semaphore_mem>>) src(%arg9 : memref<32x255xf32, #tpu.memory_space<vmem>>) dst(%dma_wait3A_743 : memref<32x255xf32, #tpu.memory_space<hbm>>)
      %get3A_744 = arith.constant 0 : index
      %get3A_745 = tpu.vector_load %arg11[%get3A_744] {strides = array<i32>} : memref<32xi32, #tpu.memory_space<vmem>>, vector<16xi32>,
      %add3A_746 = arith.constant 0 : i32
      %add3A_747 = vector.broadcast %add3A_746 : i32 to vector<16xi32>
      %add3A_748 = arith.addi %iota3A, %add3A_747 : vector<16xi32>
      tpu.vector_store_idx %arg9[%add3A_748, %get3A_745], %broadcast_in_dim3A_4 : memref<32x255xf32, #tpu.memory_space<vmem>>[vector<16xi32>, vector<16xi32>], vector<16xf32>,
      %add3A_749 = arith.constant 1 : i32
      %add3A_750 = vector.broadcast %add3A_749 : i32 to vector<16xi32>
      %add3A_751 = arith.addi %get3A_745, %add3A_750 : vector<16xi32>
      tpu.vector_store_idx %arg9[%add3A_748, %add3A_751], %broadcast_in_dim3A_4 : memref<32x255xf32, #tpu.memory_space<vmem>>[vector<16xi32>, vector<16xi32>], vector<16xf32>,
      %get3A_752 = arith.constant 16 : index
      %get3A_753 = tpu.vector_load %arg11[%get3A_752] {strides = array<i32>} : memref<32xi32, #tpu.memory_space<vmem>>, vector<16xi32>,
      %add3A_754 = arith.constant 16 : i32
      %add3A_755 = vector.broadcast %add3A_754 : i32 to vector<16xi32>
      %add3A_756 = arith.addi %iota3A, %add3A_755 : vector<16xi32>
      tpu.vector_store_idx %arg9[%add3A_756, %get3A_753], %broadcast_in_dim3A_4 : memref<32x255xf32, #tpu.memory_space<vmem>>[vector<16xi32>, vector<16xi32>], vector<16xf32>,
      %add3A_757 = arith.constant 1 : i32
      %add3A_758 = vector.broadcast %add3A_757 : i32 to vector<16xi32>
      %add3A_759 = arith.addi %get3A_753, %add3A_758 : vector<16xi32>
      tpu.vector_store_idx %arg9[%add3A_756, %add3A_759], %broadcast_in_dim3A_4 : memref<32x255xf32, #tpu.memory_space<vmem>>[vector<16xi32>, vector<16xi32>], vector<16xf32>,
      %mul3A_760 = arith.constant 32 : i32
      %mul3A_761 = arith.muli %add3A_734, %mul3A_760 : i32
      %add3A_762 = arith.constant 0 : i32
      %add3A_763 = arith.addi %mul3A_761, %add3A_762 : i32
      %get3A_764 = arith.index_cast %add3A_763 : i32 to index
      %get3A_765 = tpu.vector_load %arg6[%get3A_764] {strides = array<i32>} : memref<4096xf32, #tpu.memory_space<vmem>>, vector<16xf32>,
      %broadcast_in_dim3A_766 = arith.constant 0 : i32
      %broadcast_in_dim3A_767 = vector.broadcast %broadcast_in_dim3A_766 : i32 to vector<16xi32>
      %add3A_768 = arith.constant 128 : i32
      %add3A_769 = vector.broadcast %add3A_768 : i32 to vector<16xi32>
      %add3A_770 = arith.addi %broadcast_in_dim3A_767, %add3A_769 : vector<16xi32>
      %sub3A_771 = arith.constant 1 : i32
      %sub3A_772 = vector.broadcast %sub3A_771 : i32 to vector<16xi32>
      %sub3A_773 = arith.subi %add3A_770, %sub3A_772 : vector<16xi32>
      %gather3A_774 = tpu.vector_load_idx %arg7[%sub3A_773] : memref<255xf32, #tpu.memory_space<vmem>>[vector<16xi32>], vector<16xf32>,
      %lt3A_775 = arith.cmpf olt, %gather3A_774, %get3A_765 : vector<16xf32>
      %select_n3A_776 = arith.select %lt3A_775, %add3A_770, %broadcast_in_dim3A_767 : vector<16xi1>, vector<16xi32>
      %add3A_777 = arith.constant 64 : i32
      %add3A_778 = vector.broadcast %add3A_777 : i32 to vector<16xi32>
      %add3A_779 = arith.addi %select_n3A_776, %add3A_778 : vector<16xi32>
      %sub3A_780 = arith.constant 1 : i32
      %sub3A_781 = vector.broadcast %sub3A_780 : i32 to vector<16xi32>
      %sub3A_782 = arith.subi %add3A_779, %sub3A_781 : vector<16xi32>
      %gather3A_783 = tpu.vector_load_idx %arg7[%sub3A_782] : memref<255xf32, #tpu.memory_space<vmem>>[vector<16xi32>], vector<16xf32>,
      %lt3A_784 = arith.cmpf olt, %gather3A_783, %get3A_765 : vector<16xf32>
      %select_n3A_785 = arith.select %lt3A_784, %add3A_779, %select_n3A_776 : vector<16xi1>, vector<16xi32>
      %add3A_786 = arith.constant 32 : i32
      %add3A_787 = vector.broadcast %add3A_786 : i32 to vector<16xi32>
      %add3A_788 = arith.addi %select_n3A_785, %add3A_787 : vector<16xi32>
      %sub3A_789 = arith.constant 1 : i32
      %sub3A_790 = vector.broadcast %sub3A_789 : i32 to vector<16xi32>
      %sub3A_791 = arith.subi %add3A_788, %sub3A_790 : vector<16xi32>
      %gather3A_792 = tpu.vector_load_idx %arg7[%sub3A_791] : memref<255xf32, #tpu.memory_space<vmem>>[vector<16xi32>], vector<16xf32>,
      %lt3A_793 = arith.cmpf olt, %gather3A_792, %get3A_765 : vector<16xf32>
      %select_n3A_794 = arith.select %lt3A_793, %add3A_788, %select_n3A_785 : vector<16xi1>, vector<16xi32>
      %add3A_795 = arith.constant 16 : i32
      %add3A_796 = vector.broadcast %add3A_795 : i32 to vector<16xi32>
      %add3A_797 = arith.addi %select_n3A_794, %add3A_796 : vector<16xi32>
      %sub3A_798 = arith.constant 1 : i32
      %sub3A_799 = vector.broadcast %sub3A_798 : i32 to vector<16xi32>
      %sub3A_800 = arith.subi %add3A_797, %sub3A_799 : vector<16xi32>
      %gather3A_801 = tpu.vector_load_idx %arg7[%sub3A_800] : memref<255xf32, #tpu.memory_space<vmem>>[vector<16xi32>], vector<16xf32>,
      %lt3A_802 = arith.cmpf olt, %gather3A_801, %get3A_765 : vector<16xf32>
      %select_n3A_803 = arith.select %lt3A_802, %add3A_797, %select_n3A_794 : vector<16xi1>, vector<16xi32>
      %add3A_804 = arith.constant 8 : i32
      %add3A_805 = vector.broadcast %add3A_804 : i32 to vector<16xi32>
      %add3A_806 = arith.addi %select_n3A_803, %add3A_805 : vector<16xi32>
      %sub3A_807 = arith.constant 1 : i32
      %sub3A_808 = vector.broadcast %sub3A_807 : i32 to vector<16xi32>
      %sub3A_809 = arith.subi %add3A_806, %sub3A_808 : vector<16xi32>
      %gather3A_810 = tpu.vector_load_idx %arg7[%sub3A_809] : memref<255xf32, #tpu.memory_space<vmem>>[vector<16xi32>], vector<16xf32>,
      %lt3A_811 = arith.cmpf olt, %gather3A_810, %get3A_765 : vector<16xf32>
      %select_n3A_812 = arith.select %lt3A_811, %add3A_806, %select_n3A_803 : vector<16xi1>, vector<16xi32>
      %add3A_813 = arith.constant 4 : i32
      %add3A_814 = vector.broadcast %add3A_813 : i32 to vector<16xi32>
      %add3A_815 = arith.addi %select_n3A_812, %add3A_814 : vector<16xi32>
      %sub3A_816 = arith.constant 1 : i32
      %sub3A_817 = vector.broadcast %sub3A_816 : i32 to vector<16xi32>
      %sub3A_818 = arith.subi %add3A_815, %sub3A_817 : vector<16xi32>
      %gather3A_819 = tpu.vector_load_idx %arg7[%sub3A_818] : memref<255xf32, #tpu.memory_space<vmem>>[vector<16xi32>], vector<16xf32>,
      %lt3A_820 = arith.cmpf olt, %gather3A_819, %get3A_765 : vector<16xf32>
      %select_n3A_821 = arith.select %lt3A_820, %add3A_815, %select_n3A_812 : vector<16xi1>, vector<16xi32>
      %add3A_822 = arith.constant 2 : i32
      %add3A_823 = vector.broadcast %add3A_822 : i32 to vector<16xi32>
      %add3A_824 = arith.addi %select_n3A_821, %add3A_823 : vector<16xi32>
      %sub3A_825 = arith.constant 1 : i32
      %sub3A_826 = vector.broadcast %sub3A_825 : i32 to vector<16xi32>
      %sub3A_827 = arith.subi %add3A_824, %sub3A_826 : vector<16xi32>
      %gather3A_828 = tpu.vector_load_idx %arg7[%sub3A_827] : memref<255xf32, #tpu.memory_space<vmem>>[vector<16xi32>], vector<16xf32>,
      %lt3A_829 = arith.cmpf olt, %gather3A_828, %get3A_765 : vector<16xf32>
      %select_n3A_830 = arith.select %lt3A_829, %add3A_824, %select_n3A_821 : vector<16xi1>, vector<16xi32>
      %add3A_831 = arith.constant 1 : i32
      %add3A_832 = vector.broadcast %add3A_831 : i32 to vector<16xi32>
      %add3A_833 = arith.addi %select_n3A_830, %add3A_832 : vector<16xi32>
      %sub3A_834 = arith.constant 1 : i32
      %sub3A_835 = vector.broadcast %sub3A_834 : i32 to vector<16xi32>
      %sub3A_836 = arith.subi %add3A_833, %sub3A_835 : vector<16xi32>
      %gather3A_837 = tpu.vector_load_idx %arg7[%sub3A_836] : memref<255xf32, #tpu.memory_space<vmem>>[vector<16xi32>], vector<16xf32>,
      %lt3A_838 = arith.cmpf olt, %gather3A_837, %get3A_765 : vector<16xf32>
      %select_n3A_839 = arith.select %lt3A_838, %add3A_833, %select_n3A_830 : vector<16xi1>, vector<16xi32>
      %sub3A_840 = arith.constant 1 : i32
      %sub3A_841 = vector.broadcast %sub3A_840 : i32 to vector<16xi32>
      %sub3A_842 = arith.subi %select_n3A_839, %sub3A_841 : vector<16xi32>
      %max3A_843 = arith.constant 0 : i32
      %max3A_844 = vector.broadcast %max3A_843 : i32 to vector<16xi32>
      %max3A_845 = arith.maxsi %sub3A_842, %max3A_844 : vector<16xi32>
      %min3A_846 = arith.constant 253 : i32
      %min3A_847 = vector.broadcast %min3A_846 : i32 to vector<16xi32>
      %min3A_848 = arith.minsi %max3A_845, %min3A_847 : vector<16xi32>
      %gather3A_849 = tpu.vector_load_idx %arg7[%min3A_848] : memref<255xf32, #tpu.memory_space<vmem>>[vector<16xi32>], vector<16xf32>,
      %add3A_850 = arith.constant 1 : i32
      %add3A_851 = vector.broadcast %add3A_850 : i32 to vector<16xi32>
      %add3A_852 = arith.addi %min3A_848, %add3A_851 : vector<16xi32>
      %gather3A_853 = tpu.vector_load_idx %arg7[%add3A_852] : memref<255xf32, #tpu.memory_space<vmem>>[vector<16xi32>], vector<16xf32>,
      %sub3A_854 = arith.subf %gather3A_853, %get3A_765 : vector<16xf32>
      %sub3A_855 = arith.subf %gather3A_853, %gather3A_849 : vector<16xf32>
      %div3A_856 = arith.divf %sub3A_854, %sub3A_855 : vector<16xf32>
      %max3A_857 = arith.constant 0.000000e+00 : f32
      %max3A_858 = vector.broadcast %max3A_857 : f32 to vector<16xf32>
      %max3A_859 = arith.maximumf %div3A_856, %max3A_858 : vector<16xf32>
      %min3A_860 = arith.constant 1.000000e+00 : f32
      %min3A_861 = vector.broadcast %min3A_860 : f32 to vector<16xf32>
      %min3A_862 = arith.minimumf %max3A_859, %min3A_861 : vector<16xf32>
      %add3A_863 = arith.constant 0 : i32
      %add3A_864 = vector.broadcast %add3A_863 : i32 to vector<16xi32>
      %add3A_865 = arith.addi %iota3A, %add3A_864 : vector<16xi32>
      tpu.vector_store_idx %arg9[%add3A_865, %min3A_848], %min3A_862 : memref<32x255xf32, #tpu.memory_space<vmem>>[vector<16xi32>, vector<16xi32>], vector<16xf32>,
      %add3A_866 = arith.constant 1 : i32
      %add3A_867 = vector.broadcast %add3A_866 : i32 to vector<16xi32>
      %add3A_868 = arith.addi %min3A_848, %add3A_867 : vector<16xi32>
      %sub3A_869 = arith.constant 1.000000e+00 : f32
      %sub3A_870 = vector.broadcast %sub3A_869 : f32 to vector<16xf32>
      %sub3A_871 = arith.subf %sub3A_870, %min3A_862 : vector<16xf32>
      tpu.vector_store_idx %arg9[%add3A_865, %add3A_868], %sub3A_871 : memref<32x255xf32, #tpu.memory_space<vmem>>[vector<16xi32>, vector<16xi32>], vector<16xf32>,
      %swap3A_872 = arith.constant 0 : index
      %swap3A_873 = tpu.vector_load %arg11[%swap3A_872] {strides = array<i32>} : memref<32xi32, #tpu.memory_space<vmem>>, vector<16xi32>,
      tpu.vector_store %arg11[%swap3A_872], %min3A_848 {strides = array<i32>} : memref<32xi32, #tpu.memory_space<vmem>>, vector<16xi32>,
      %mul3A_874 = arith.constant 32 : i32
      %mul3A_875 = arith.muli %add3A_734, %mul3A_874 : i32
      %add3A_876 = arith.constant 16 : i32
      %add3A_877 = arith.addi %mul3A_875, %add3A_876 : i32
      %get3A_878 = arith.index_cast %add3A_877 : i32 to index
      %get3A_879 = tpu.vector_load %arg6[%get3A_878] {strides = array<i32>} : memref<4096xf32, #tpu.memory_space<vmem>>, vector<16xf32>,
      %broadcast_in_dim3A_880 = arith.constant 0 : i32
      %broadcast_in_dim3A_881 = vector.broadcast %broadcast_in_dim3A_880 : i32 to vector<16xi32>
      %add3A_882 = arith.constant 128 : i32
      %add3A_883 = vector.broadcast %add3A_882 : i32 to vector<16xi32>
      %add3A_884 = arith.addi %broadcast_in_dim3A_881, %add3A_883 : vector<16xi32>
      %sub3A_885 = arith.constant 1 : i32
      %sub3A_886 = vector.broadcast %sub3A_885 : i32 to vector<16xi32>
      %sub3A_887 = arith.subi %add3A_884, %sub3A_886 : vector<16xi32>
      %gather3A_888 = tpu.vector_load_idx %arg7[%sub3A_887] : memref<255xf32, #tpu.memory_space<vmem>>[vector<16xi32>], vector<16xf32>,
      %lt3A_889 = arith.cmpf olt, %gather3A_888, %get3A_879 : vector<16xf32>
      %select_n3A_890 = arith.select %lt3A_889, %add3A_884, %broadcast_in_dim3A_881 : vector<16xi1>, vector<16xi32>
      %add3A_891 = arith.constant 64 : i32
      %add3A_892 = vector.broadcast %add3A_891 : i32 to vector<16xi32>
      %add3A_893 = arith.addi %select_n3A_890, %add3A_892 : vector<16xi32>
      %sub3A_894 = arith.constant 1 : i32
      %sub3A_895 = vector.broadcast %sub3A_894 : i32 to vector<16xi32>
      %sub3A_896 = arith.subi %add3A_893, %sub3A_895 : vector<16xi32>
      %gather3A_897 = tpu.vector_load_idx %arg7[%sub3A_896] : memref<255xf32, #tpu.memory_space<vmem>>[vector<16xi32>], vector<16xf32>,
      %lt3A_898 = arith.cmpf olt, %gather3A_897, %get3A_879 : vector<16xf32>
      %select_n3A_899 = arith.select %lt3A_898, %add3A_893, %select_n3A_890 : vector<16xi1>, vector<16xi32>
      %add3A_900 = arith.constant 32 : i32
      %add3A_901 = vector.broadcast %add3A_900 : i32 to vector<16xi32>
      %add3A_902 = arith.addi %select_n3A_899, %add3A_901 : vector<16xi32>
      %sub3A_903 = arith.constant 1 : i32
      %sub3A_904 = vector.broadcast %sub3A_903 : i32 to vector<16xi32>
      %sub3A_905 = arith.subi %add3A_902, %sub3A_904 : vector<16xi32>
      %gather3A_906 = tpu.vector_load_idx %arg7[%sub3A_905] : memref<255xf32, #tpu.memory_space<vmem>>[vector<16xi32>], vector<16xf32>,
      %lt3A_907 = arith.cmpf olt, %gather3A_906, %get3A_879 : vector<16xf32>
      %select_n3A_908 = arith.select %lt3A_907, %add3A_902, %select_n3A_899 : vector<16xi1>, vector<16xi32>
      %add3A_909 = arith.constant 16 : i32
      %add3A_910 = vector.broadcast %add3A_909 : i32 to vector<16xi32>
      %add3A_911 = arith.addi %select_n3A_908, %add3A_910 : vector<16xi32>
      %sub3A_912 = arith.constant 1 : i32
      %sub3A_913 = vector.broadcast %sub3A_912 : i32 to vector<16xi32>
      %sub3A_914 = arith.subi %add3A_911, %sub3A_913 : vector<16xi32>
      %gather3A_915 = tpu.vector_load_idx %arg7[%sub3A_914] : memref<255xf32, #tpu.memory_space<vmem>>[vector<16xi32>], vector<16xf32>,
      %lt3A_916 = arith.cmpf olt, %gather3A_915, %get3A_879 : vector<16xf32>
      %select_n3A_917 = arith.select %lt3A_916, %add3A_911, %select_n3A_908 : vector<16xi1>, vector<16xi32>
      %add3A_918 = arith.constant 8 : i32
      %add3A_919 = vector.broadcast %add3A_918 : i32 to vector<16xi32>
      %add3A_920 = arith.addi %select_n3A_917, %add3A_919 : vector<16xi32>
      %sub3A_921 = arith.constant 1 : i32
      %sub3A_922 = vector.broadcast %sub3A_921 : i32 to vector<16xi32>
      %sub3A_923 = arith.subi %add3A_920, %sub3A_922 : vector<16xi32>
      %gather3A_924 = tpu.vector_load_idx %arg7[%sub3A_923] : memref<255xf32, #tpu.memory_space<vmem>>[vector<16xi32>], vector<16xf32>,
      %lt3A_925 = arith.cmpf olt, %gather3A_924, %get3A_879 : vector<16xf32>
      %select_n3A_926 = arith.select %lt3A_925, %add3A_920, %select_n3A_917 : vector<16xi1>, vector<16xi32>
      %add3A_927 = arith.constant 4 : i32
      %add3A_928 = vector.broadcast %add3A_927 : i32 to vector<16xi32>
      %add3A_929 = arith.addi %select_n3A_926, %add3A_928 : vector<16xi32>
      %sub3A_930 = arith.constant 1 : i32
      %sub3A_931 = vector.broadcast %sub3A_930 : i32 to vector<16xi32>
      %sub3A_932 = arith.subi %add3A_929, %sub3A_931 : vector<16xi32>
      %gather3A_933 = tpu.vector_load_idx %arg7[%sub3A_932] : memref<255xf32, #tpu.memory_space<vmem>>[vector<16xi32>], vector<16xf32>,
      %lt3A_934 = arith.cmpf olt, %gather3A_933, %get3A_879 : vector<16xf32>
      %select_n3A_935 = arith.select %lt3A_934, %add3A_929, %select_n3A_926 : vector<16xi1>, vector<16xi32>
      %add3A_936 = arith.constant 2 : i32
      %add3A_937 = vector.broadcast %add3A_936 : i32 to vector<16xi32>
      %add3A_938 = arith.addi %select_n3A_935, %add3A_937 : vector<16xi32>
      %sub3A_939 = arith.constant 1 : i32
      %sub3A_940 = vector.broadcast %sub3A_939 : i32 to vector<16xi32>
      %sub3A_941 = arith.subi %add3A_938, %sub3A_940 : vector<16xi32>
      %gather3A_942 = tpu.vector_load_idx %arg7[%sub3A_941] : memref<255xf32, #tpu.memory_space<vmem>>[vector<16xi32>], vector<16xf32>,
      %lt3A_943 = arith.cmpf olt, %gather3A_942, %get3A_879 : vector<16xf32>
      %select_n3A_944 = arith.select %lt3A_943, %add3A_938, %select_n3A_935 : vector<16xi1>, vector<16xi32>
      %add3A_945 = arith.constant 1 : i32
      %add3A_946 = vector.broadcast %add3A_945 : i32 to vector<16xi32>
      %add3A_947 = arith.addi %select_n3A_944, %add3A_946 : vector<16xi32>
      %sub3A_948 = arith.constant 1 : i32
      %sub3A_949 = vector.broadcast %sub3A_948 : i32 to vector<16xi32>
      %sub3A_950 = arith.subi %add3A_947, %sub3A_949 : vector<16xi32>
      %gather3A_951 = tpu.vector_load_idx %arg7[%sub3A_950] : memref<255xf32, #tpu.memory_space<vmem>>[vector<16xi32>], vector<16xf32>,
      %lt3A_952 = arith.cmpf olt, %gather3A_951, %get3A_879 : vector<16xf32>
      %select_n3A_953 = arith.select %lt3A_952, %add3A_947, %select_n3A_944 : vector<16xi1>, vector<16xi32>
      %sub3A_954 = arith.constant 1 : i32
      %sub3A_955 = vector.broadcast %sub3A_954 : i32 to vector<16xi32>
      %sub3A_956 = arith.subi %select_n3A_953, %sub3A_955 : vector<16xi32>
      %max3A_957 = arith.constant 0 : i32
      %max3A_958 = vector.broadcast %max3A_957 : i32 to vector<16xi32>
      %max3A_959 = arith.maxsi %sub3A_956, %max3A_958 : vector<16xi32>
      %min3A_960 = arith.constant 253 : i32
      %min3A_961 = vector.broadcast %min3A_960 : i32 to vector<16xi32>
      %min3A_962 = arith.minsi %max3A_959, %min3A_961 : vector<16xi32>
      %gather3A_963 = tpu.vector_load_idx %arg7[%min3A_962] : memref<255xf32, #tpu.memory_space<vmem>>[vector<16xi32>], vector<16xf32>,
      %add3A_964 = arith.constant 1 : i32
      %add3A_965 = vector.broadcast %add3A_964 : i32 to vector<16xi32>
      %add3A_966 = arith.addi %min3A_962, %add3A_965 : vector<16xi32>
      %gather3A_967 = tpu.vector_load_idx %arg7[%add3A_966] : memref<255xf32, #tpu.memory_space<vmem>>[vector<16xi32>], vector<16xf32>,
      %sub3A_968 = arith.subf %gather3A_967, %get3A_879 : vector<16xf32>
      %sub3A_969 = arith.subf %gather3A_967, %gather3A_963 : vector<16xf32>
      %div3A_970 = arith.divf %sub3A_968, %sub3A_969 : vector<16xf32>
      %max3A_971 = arith.constant 0.000000e+00 : f32
      %max3A_972 = vector.broadcast %max3A_971 : f32 to vector<16xf32>
      %max3A_973 = arith.maximumf %div3A_970, %max3A_972 : vector<16xf32>
      %min3A_974 = arith.constant 1.000000e+00 : f32
      %min3A_975 = vector.broadcast %min3A_974 : f32 to vector<16xf32>
      %min3A_976 = arith.minimumf %max3A_973, %min3A_975 : vector<16xf32>
      %add3A_977 = arith.constant 16 : i32
      %add3A_978 = vector.broadcast %add3A_977 : i32 to vector<16xi32>
      %add3A_979 = arith.addi %iota3A, %add3A_978 : vector<16xi32>
      tpu.vector_store_idx %arg9[%add3A_979, %min3A_962], %min3A_976 : memref<32x255xf32, #tpu.memory_space<vmem>>[vector<16xi32>, vector<16xi32>], vector<16xf32>,
      %add3A_980 = arith.constant 1 : i32
      %add3A_981 = vector.broadcast %add3A_980 : i32 to vector<16xi32>
      %add3A_982 = arith.addi %min3A_962, %add3A_981 : vector<16xi32>
      %sub3A_983 = arith.constant 1.000000e+00 : f32
      %sub3A_984 = vector.broadcast %sub3A_983 : f32 to vector<16xf32>
      %sub3A_985 = arith.subf %sub3A_984, %min3A_976 : vector<16xf32>
      tpu.vector_store_idx %arg9[%add3A_979, %add3A_982], %sub3A_985 : memref<32x255xf32, #tpu.memory_space<vmem>>[vector<16xi32>, vector<16xi32>], vector<16xf32>,
      %swap3A_986 = arith.constant 16 : index
      %swap3A_987 = tpu.vector_load %arg11[%swap3A_986] {strides = array<i32>} : memref<32xi32, #tpu.memory_space<vmem>>, vector<16xi32>,
      tpu.vector_store %arg11[%swap3A_986], %min3A_962 {strides = array<i32>} : memref<32xi32, #tpu.memory_space<vmem>>, vector<16xi32>,
      %mul3A_988 = arith.constant 32 : i32
      %mul3A_989 = arith.muli %add3A_734, %mul3A_988 : i32
      %add3A_990 = arith.addi %mul3A_2, %mul3A_989 : i32
      %dma_start3A_991 = arith.constant 0 : i32
      %dma_start3A_992 = tpu.memref_slice %arg5[%add3A_990, %dma_start3A_991] : memref<131072x255xf32, #tpu.memory_space<hbm>> -> memref<32x255xf32, #tpu.memory_space<hbm>>
      %dma_start3A_993 = arith.constant 0 : i32
      %dma_start3A_994 = tpu.memref_slice %arg5[%add3A_990, %dma_start3A_993] : memref<131072x255xf32, #tpu.memory_space<hbm>> -> memref<32x255xf32, #tpu.memory_space<hbm>>
      tpu.enqueue_dma source(%arg9 : memref<32x255xf32, #tpu.memory_space<vmem>>) target(%dma_start3A_994 : memref<32x255xf32, #tpu.memory_space<hbm>>) target_semaphore(%arg13 : memref<!tpu.dma_semaphore, #tpu.memory_space<semaphore_mem>>)
    }
    %scan3A_453 = arith.constant 63 : i32
    %add3A_454 = arith.constant 4032 : i32
    %add3A_455 = arith.addi %mul3A_2, %add3A_454 : i32
    %dma_wait3A_456 = arith.constant 0 : i32
    %dma_wait3A_457 = tpu.memref_slice %arg5[%add3A_455, %dma_wait3A_456] : memref<131072x255xf32, #tpu.memory_space<hbm>> -> memref<32x255xf32, #tpu.memory_space<hbm>>
    %dma_wait3A_458 = arith.constant 0 : i32
    %dma_wait3A_459 = tpu.memref_slice %arg5[%add3A_455, %dma_wait3A_458] : memref<131072x255xf32, #tpu.memory_space<hbm>> -> memref<32x255xf32, #tpu.memory_space<hbm>>
    tpu.wait_dma2 semaphore(%arg12 : memref<!tpu.dma_semaphore, #tpu.memory_space<semaphore_mem>>) src(%arg8 : memref<32x255xf32, #tpu.memory_space<vmem>>) dst(%dma_wait3A_459 : memref<32x255xf32, #tpu.memory_space<hbm>>)
    %add3A_460 = arith.constant 4064 : i32
    %add3A_461 = arith.addi %mul3A_2, %add3A_460 : i32
    %dma_wait3A_462 = arith.constant 0 : i32
    %dma_wait3A_463 = tpu.memref_slice %arg5[%add3A_461, %dma_wait3A_462] : memref<131072x255xf32, #tpu.memory_space<hbm>> -> memref<32x255xf32, #tpu.memory_space<hbm>>
    %dma_wait3A_464 = arith.constant 0 : i32
    %dma_wait3A_465 = tpu.memref_slice %arg5[%add3A_461, %dma_wait3A_464] : memref<131072x255xf32, #tpu.memory_space<hbm>> -> memref<32x255xf32, #tpu.memory_space<hbm>>
    tpu.wait_dma2 semaphore(%arg13 : memref<!tpu.dma_semaphore, #tpu.memory_space<semaphore_mem>>) src(%arg9 : memref<32x255xf32, #tpu.memory_space<vmem>>) dst(%dma_wait3A_465 : memref<32x255xf32, #tpu.memory_space<hbm>>)
    return
  }
}

</mosaic_0001>

<sc_bundles>
// kernel: _sc_twohot.3.cloned.1.call-start
scs
__scs_entry_jumppad:
0x0: {  	(pc) =	sbr.rel $0x88, $3  }
0x1: {  	(tag) =	ssettag $0x0;
	lr =	simm.s32 $0x1  }
0x2: {  	[smem:$0x3F9E] =	sst lr;
	_ =	strace $0xD0000000  }
0x3: {  	_ = 	snop  }
0x4: {  	_ = 	snop  }
0x5: {  	_ = 	snop  }
0x6: {  	_ = 	snop  }
0x7: {  	_ = 	snop  }
__scs_overlays_trampoline_lowered:
0x8: {  	[smem:$0x3FAD] =	sst s0  }
0x9: {  	[smem:$0x3FAE] =	sst s1  }
0xa: {  	[smem:$0x3FAF] =	sst s2  }
0xb: {  	[smem:$0x3FB0] =	sst s3  }
0xc: {  	[smem:$0x3FB1] =	sst s4  }
0xd: {  	[smem:$0x3FB2] =	sst s5  }
0xe: {  	[smem:$0x3FB3] =	sst s6  }
0xf: {  	[smem:$0x3FB4] =	sst s7  }
0x10: {  	[smem:$0x3FB5] =	sst s8  }
0x11: {  	[smem:$0x3FB6] =	sst s9;
	s0 =	simm.s32 @!p0 $0x0  }
0x12: {  	s1 =	sld [smem:$0x3F9C];
	s0 =	simm.s32 @p0 $0x1  }
0x13: {  	[smem:$0x3FB7] =	sst s0;
	s0 =	simm.s32 @!p1 $0x0  }
0x14: {  	s2 =	sld [smem:$0x3F9B];
	s0 =	simm.s32 @p1 $0x1  }
0x15: {  	[smem:$0x3FB8] =	sst s0;
	s0 =	simm.s32 @!p2 $0x0  }
0x16: {  	s3 =	sld [smem:$0x3FDB];
	s0 =	simm.s32 @p2 $0x1  }
0x17: {  	s4 =	simm.s32 $0x1BF5;
	[smem:$0x3FBA] =	sst s0  }
0x18: {  	s0 =	sld [smem:$0x3F9D];
	_ =	swait.ge [sflag:s4], $0x0  }
0x19: {  	s7 =	sld [smem:$0x3F9E]  }
0x1a: {  	s8 =	sadd.s32 $0xFFFFE003, lr  }
0x1b: {  	s9 =	sadd.s32 $0xFFFFFEF7, lr;
	s5 =	simm.s32 $0xFFFFFFFF;
	p2 =	slt.u32 s8, $0xFFFFF086  }
0x1c: {  	p1 =	slt.u32 s9, $0xF7A;
	s5 =	simm.s32 @!p2 $0x0  }
0x1d: {  	s5 =	simm.s32 @p1 $0x1;
	p0 =	seq.s32 s7, s2  }
0x1e: {  	s7 =	smul.u32 @!p0 $0xF7A, s2;
	p2 =	seq.s32 @!p0 s5, $0x0  }
0x1f: {  	s9 =	smul.u32 $0xF7A, s1;
	s8 =	simm.s32 @!p0 $0x1BF5;
	p2 =	por !p2, p0  }
0x20: {  	[sflag:s8] =	ssyncset.s32 @!p0 $0xFFFFF086;
	s6 =	sadd.s32 @!p0 s3, s7;
	s7 =	simm.s32 @!p0 $0x108  }
0x21: {  	s3 =	sadd.s32 s3, s9;
	s6 =	sadd.s32 @!p0 $0x88, s6;
	s7 =	simm.s32 @p2 $0x1082  }
0x22: {  	[simem:s7], [sflag:s8] =	dma.local @!p0 [hbm:s6], $0xF7A  }
0x23: {  	s9 =	sor.u32 $0xD0000000, s2;
	s6 =	simm.s32 $0x108;
	_ =	swait.ge @!p0 [sflag:s8], $0x0  }
0x24: {  	s3 =	sadd.s32 $0x88, s3;
	s6 =	simm.s32 @!p1 $0x1082;
	[sflag:s4] =	ssyncset.s32 $0xFFFFF086  }
0x25: {  	[simem:s6], [sflag:s4] =	dma.local [hbm:s3], $0xF7A  }
0x26: {  	[smem:$0x3F9E] =	sst s1;
	(tag) =	ssettag s2;
	_ =	strace s9  }
0x27: {  	s1 =	sld [smem:$0x3FAE]  }
0x28: {  	s2 =	sld [smem:$0x3FAF]  }
0x29: {  	s4 =	sld [smem:$0x3FB1]  }
0x2a: {  	p0 =	seq.s32 s5, $0x0;
	s5 =	sld [smem:$0x3FB2]  }
0x2b: {  	s6 =	sld [smem:$0x3FB3]  }
0x2c: {  	s7 =	sld [smem:$0x3FB4]  }
0x2d: {  	s3 =	simm.s32 $0x108;
	s8 =	sld [smem:$0x3FB5]  }
0x2e: {  	s3 =	simm.s32 @!p0 $0x1082;
	s9 =	sld [smem:$0x3FB6]  }
0x2f: {  	lr =	sadd.s32 s0, s3;
	s0 =	sld [smem:$0x3FAD]  }
0x30: {  	s3 =	sld [smem:$0x3FB0]  }
0x31: {  	[smem:$0x3FB9] =	sst s10  }
0x32: {  	s10 =	sld [smem:$0x3FB7];
	_ =	sdelay $0x3  }
0x33: {  	p0 =	seq.s32 s10, $0x1;
	s10 =	sld [smem:$0x3FB9];
	_ =	sdelay $0x3  }
0x34: {  	[smem:$0x3FB9] =	sst s10  }
0x35: {  	s10 =	sld [smem:$0x3FB8];
	_ =	sdelay $0x3  }
0x36: {  	p1 =	seq.s32 s10, $0x1;
	s10 =	sld [smem:$0x3FB9];
	_ =	sdelay $0x3  }
0x37: {  	[smem:$0x3FB9] =	sst s10  }
0x38: {  	s10 =	sld [smem:$0x3FBA]  }
0x39: {  	_ = 	snop;
	(pc) =	sbr.ind lr, $3  }
0x3a: {  	_ = 	snop  }
0x3b: {  	_ = 	snop  }
0x3c: {  	p2 =	seq.s32 s10, $0x1;
	s10 =	sld [smem:$0x3FB9]  }
0x3d: {  	_ =	shalt  }
0x3e: {  	_ =	shalt  }
0x3f: {  	_ =	shalt  }
0x40: {  	_ =	shalt  }
0x41: {  	_ =	shalt  }
0x42: {  	_ =	shalt  }
0x43: {  	_ =	shalt  }
0x44: {  	_ =	shalt  }
0x45: {  	_ =	shalt  }
0x46: {  	_ =	shalt  }
0x47: {  	_ =	shalt  }
0x48: {  	_ =	shalt  }
0x49: {  	_ =	shalt  }
0x4a: {  	_ =	shalt  }
0x4b: {  	_ =	shalt  }
0x4c: {  	_ =	shalt  }
0x4d: {  	_ =	shalt  }
0x4e: {  	_ =	shalt  }
0x4f: {  	_ =	shalt  }
0x50: {  	_ =	shalt  }
0x51: {  	_ =	shalt  }
0x52: {  	_ =	shalt  }
0x53: {  	_ =	shalt  }
0x54: {  	_ =	shalt  }
0x55: {  	_ =	shalt  }
0x56: {  	_ =	shalt  }
0x57: {  	_ =	shalt  }
0x58: {  	_ =	shalt  }
0x59: {  	_ =	shalt  }
0x5a: {  	_ =	shalt  }
0x5b: {  	_ =	shalt  }
0x5c: {  	_ =	shalt  }
0x5d: {  	_ =	shalt  }
0x5e: {  	_ =	shalt  }
0x5f: {  	_ =	shalt  }
0x60: {  	_ =	shalt  }
0x61: {  	_ =	shalt  }
0x62: {  	_ =	shalt  }
0x63: {  	_ =	shalt  }
0x64: {  	_ =	shalt  }
0x65: {  	_ =	shalt  }
0x66: {  	_ =	shalt  }
0x67: {  	_ =	shalt  }
0x68: {  	_ =	shalt  }
0x69: {  	_ =	shalt  }
0x6a: {  	_ =	shalt  }
0x6b: {  	_ =	shalt  }
0x6c: {  	_ =	shalt  }
0x6d: {  	_ =	shalt  }
0x6e: {  	_ =	shalt  }
0x6f: {  	_ =	shalt  }
0x70: {  	_ =	shalt  }
0x71: {  	_ =	shalt  }
0x72: {  	_ =	shalt  }
0x73: {  	_ =	shalt  }
0x74: {  	_ =	shalt  }
0x75: {  	_ =	shalt  }
0x76: {  	_ =	shalt  }
0x77: {  	_ =	shalt  }
0x78: {  	_ =	shalt  }
0x79: {  	_ =	shalt  }
0x7a: {  	_ =	shalt  }
0x7b: {  	_ =	shalt  }
0x7c: {  	_ =	shalt  }
0x7d: {  	_ =	shalt  }
0x7e: {  	_ =	shalt  }
0x7f: {  	_ =	shalt  }
0x80: {  	_ =	shalt  }
0x81: {  	_ =	shalt  }
0x82: {  	_ =	shalt  }
0x83: {  	_ =	shalt  }
0x84: {  	_ =	shalt  }
0x85: {  	_ =	shalt  }
0x86: {  	_ =	shalt  }
0x87: {  	_ =	shalt  }
.Lfunc_end0:
.L_simem_size_0:
called_computation_lowered:
.L_overlay_start_0:
0x88: {  	s2 =	sld [smem:$0x3FD9]  }
0x89: {  	s3 =	sld [smem:$0x3FFE];
	_ =	sdelay $0x1  }
0x8a: {  	s1 =	srdreg.scid  }
0x8b: {  	s0 =	sand.u32 $0x1, s1  }
0x8c: {  	s18 =	sshll.u32 s0, $0xA;
	s2 =	sadd.s32 s3, s2  }
0x8d: {  	s2 =	sadd.s32 s2, s18  }
0x8e: {  	[smem:$0x3FC5] =	sst s2  }
0x8f: {  	_ = 	snop  }
0x90: {  	s2 =	sld [smem:$0x3FC9]  }
0x91: {  	s19 =	sld [smem:$0x3FC8]  }
0x92: {  	s4 =	sld [smem:$0x3FC7]  }
0x93: {  	s5 =	sld [smem:$0x3FD0];
	(tm) =	ssettm $0x1  }
0x94: {  	s6 =	sld [smem:$0x3FFB];
	_ =	sdelay $0x3  }
0x95: {  	_ =	strace s6  }
0x96: {  	s6 =	sld [smem:$0x3FFC];
	_ =	sdelay $0x3  }
0x97: {  	_ =	strace s6  }
0x98: {  	s6 =	sld [smem:$0x3FFD];
	_ =	sdelay $0x3  }
0x99: {  	_ =	strace s6  }
0x9a: {  	_ =	strace $0x8FFFFFFF  }
0x9b: {  	s20 =	sld [smem:$0x3FDB];
	_ =	sdelay $0x1  }
0x9c: {  	s7 =	simm.s32 $_scs_section_size  }
0x9d: {  	s8 =	simm.s32 $_size__tile_overlayer_lowered;
	s9 =	simm.s32 $_tile_overlayer_lowered  }
0x9e: {  	s23 =	simm.s32 $0x1BFF;
	s22 =	sshll.u32 s9, $0x1;
	s6 =	sadd.s32 s7, s20  }
0x9f: {  	s10 =	simm.s32 $0x0;
	s21 =	sshll.u32 s8, $0x1;
	s8 =	sadd.s32 s22, s6  }
0xa0: {  	[timem:s10], [sflag:s23] =	dma.local [hbm:s8], s21  }
0xa1: {  	_ =	swait.ge [sflag:s23], s21  }
0xa2: {  	s7 =	ssub.s32 $0x0, s21;
	[sflag:s23] =	ssyncset.done $0x0  }
0xa3: {  	[sflag:s23] =	ssyncadd.s32 s7;
	_ =	sdelay $0x1  }
0xa4: {  	s24 =	simm.s32 $0x1B8B  }
0xa5: {  	_ =	swait.ge [sflag:s24], $0x1  }
0xa6: {  	[sflag:s24] =	ssyncset.done $0x0  }
0xa7: {  	s25 =	simm.s32 $0x1B8E;
	[sflag:s24] =	ssyncadd.s32 $0xFFFFFFFF  }
0xa8: {  	s26 =	simm.s32 $execute0_lowered;
	[smem:$0x3FD2] =	sst s25  }
0xa9: {  	s7 =	sshll.u32 s26, $0x1;
	_ =	strace $0x80000046;
	[dreg:$0x1] =	wrdreg $0xFFFFFFFF  }
0xaa: {  	s28 =	simm.s32 $_size_execute0_lowered;
	s6 =	sadd.s32 s6, s7;
	[dreg:$0x0] =	wrdreg $0x0  }
0xab: {  	s7 =	sshll.u32 s28, $0x1;
	[dreg:$0x2] =	wrdreg s6  }
0xac: {  	[dreg:$0x3] =	wrdreg s7  }
0xad: {  	[dreg:$0x4] =	wrdreg $0xC0  }
0xae: {  	_ =	task [dreg:s10], $0x5FFFF  }
0xaf: {  	[dreg:$0x1] =	wrdreg $0xFFFFFFFF  }
0xb0: {  	[dreg:$0x0] =	wrdreg $0x60  }
0xb1: {  	[dreg:$0x2] =	wrdreg s2  }
0xb2: {  	[dreg:$0x3] =	wrdreg s19  }
0xb3: {  	[dreg:$0x4] =	wrdreg s4  }
0xb4: {  	[dreg:$0x5] =	wrdreg s5  }
0xb5: {  	[dreg:$0x6] =	wrdreg $0x9  }
0xb6: {  	_ =	task.clear_ibuf [dreg:s10], $0x7FFFF;
	_ =	strace $0x90000046  }
0xb7: {  	s29 =	simm.s32 $0x9;
	_ =	strace $0x80000048  }
0xb8: {  	_ =	swait.ge [sflag:s29], $0x1  }
0xb9: {  	[sflag:s29] =	ssyncadd.s32 $0xFFFFFFFF  }
0xba: {  	_ =	strace $0x90000048  }
0xbb: {  	_ =	sfence  }
0xbc: {  	s30 =	sld [smem:$0x0];
	_ =	sdelay $0x2  }
0xbd: {  	s31 =	sshll.u32 s1, $0xD;
	s1 =	sshrl.u32 s1, $0x2  }
0xbe: {  	s3 =	sand.u32 $0x4000, s31;
	s1 =	sadd.s32 s1, s30  }
0xbf: {  	s0 =	sor.u32 s3, s0;
	s1 =	sshll.u32 s1, $0x11  }
0xc0: {  	s0 =	sor.u32 s1, s0  }
0xc1: {  	s0 =	sadd.s32 $0x8F2B, s0  }
0xc2: {  	[sflag:s0] =	ssyncadd.remote.s32 $0x1  }
0xc3: {  	_ =	sfence.sel $0xFFFF  }
0xc4: {  	[dreg:$0x0] =	wrdreg $0xFFFFFFFF;
	(pc) =	sbr.abs _section_cstart, $3  }
0xc5: {  	[dreg:$0x1] =	wrdreg $0xFFFFFFFF  }
0xc6: {  	_ =	task.clear_ibuf [dreg:s10], $0x2FFFF;
	_ =	strace $0x9FFFFFFF  }
0xc7: {  	(tm) =	ssettm $0x7FFFFFFF  }
tec
execute0_lowered:
.L_overlay_start_1:
0x0: {  	(tag) =	ssettag $0x1  }
0x1: {  	v0 =	vimm.s32 $0x7F;
	v1 =	vimm.s32 $0x0  }
0x2: {  	v2 =	vimm.s32 $0xB80;
	vm0 =	vcmask $0x300;
	v3 =	vimm.s32 $0x1B80  }
0x3: {  	vm1 =	vcmask $0x704;
	v2 =	vsel vm0, $0x0, v2;
	v3 =	vsel vm0, $0x1000, v3  }
0x4: {  	s6 =	rddreg [dreg:$0x0];
	vm15 =	vcmask $0xB08;
	v2 =	vsel vm1, $0x80, v2;
	v3 =	vsel vm1, $0x1080, v3  }
0x5: {  	s0 =	rddreg [dreg:$0x1];
	vm4 =	vcmask $0xF0C;
	v2 =	vsel vm15, $0x100, v2;
	v3 =	vsel vm15, $0x1100, v3  }
0x6: {  	s1 =	rddreg [dreg:$0x2];
	vm5 =	vcmask $0x1310;
	v2 =	vsel vm4, $0x180, v2;
	v3 =	vsel vm4, $0x1180, v3  }
0x7: {  	s9 =	rddreg [dreg:$0x3];
	s4 =	srdreg.scid;
	vm6 =	vcmask $0x1714;
	v2 =	vsel vm5, $0x200, v2;
	v3 =	vsel vm5, $0x1200, v3  }
0x8: {  	s2 =	rddreg [dreg:$0x4];
	s3 =	stileid.u32;
	vm7 =	vcmask $0x1B18;
	s12 =	simm.s32 $0x3100;
	v2 =	vsel vm6, $0x280, v2;
	v3 =	vsel vm6, $0x1280, v3  }
0x9: {  	vm8 =	vcmask $0x1F1C;
	s13 =	simm.s32 $0x3;
	s14 =	simm.s32 $0x4;
	s15 =	simm.s32 $0x1;
	v2 =	vsel vm7, $0x300, v2;
	v3 =	vsel vm7, $0x1300, v3  }
0xa: {  	vm9 =	vcmask $0x2320;
	s16 =	simm.s32 $0x2;
	s17 =	simm.s32 $0x0;
	s10 =	sand.u32 $0x1, s4;
	v2 =	vsel vm8, $0x380, v2;
	v3 =	vsel vm8, $0x1380, v3  }
0xb: {  	vm10 =	vcmask $0x2724;
	s4 =	simm.s32 $0x0;
	s5 =	sshll.u32 s3, $0xD;
	s31 =	sshll.u32 s3, $0x12;
	v2 =	vsel vm9, $0x800, v2;
	v3 =	vsel vm9, $0x1800, v3  }
0xc: {  	vm11 =	vcmask $0x2B28;
	s7 =	sshll.u32 s10, $0xC;
	[smem:$0x7FF] =	sst s4;
	s8 =	ssub.s32 $0x2, s10;
	v2 =	vsel vm10, $0x880, v2;
	v3 =	vsel vm10, $0x1880, v3  }
0xd: {  	vm12 =	vcmask $0x2F2C;
	s10 =	sshll.u32 s10, $0x11;
	s5 =	sor.u32 s7, s5;
	_ =	strace $0x80000047;
	v2 =	vsel vm11, $0x900, v2;
	v3 =	vsel vm11, $0x1900, v3  }
0xe: {  	vm13 =	vcmask $0x3330;
	s29 =	sshrl.u32 s8, $0x1;
	s11 =	sshll.u32 s5, $0x5;
	s30 =	sshrl.u32 s5, $0x3;
	v2 =	vsel vm12, $0x980, v2;
	v3 =	vsel vm12, $0x1980, v3  }
0xf: {  	vm14 =	vcmask $0x3734;
	s8 =	ssub.s32 s8, s29;
	s5 =	sadd.s32 s9, s11;
	s6 =	sadd.s32 s6, s30;
	v2 =	vsel vm13, $0xA00, v2;
	v3 =	vsel vm13, $0x1A00, v3  }
0x10: {  	vm15 =	vcmask $0x3B38;
	s8 =	smax.u32 s8, $0x1;
	s9 =	sadd.s32 s31, s9;
	s11 =	simm.s32 $0x1100;
	v2 =	vsel vm14, $0xA80, v2;
	v3 =	vsel vm14, $0x1A80, v3  }
0x11: {  	v4 =	vimm.f32 $0.0e+00;
	s7 =	sadd.s32 $0x400, s5;
	s9 =	sadd.s32 s10, s9;
	s10 =	simm.s32 $0x1000;
	v2 =	vsel vm15, $0xB00, v2;
	v3 =	vsel vm15, $0x1B00, v3  }
.LBB2_1:
0x12: {  	[tilespmem:s4], [sflag:$0x3] =	stream.linear.gather [hbm4b:s6+s4], $0x1000, $0x38;
	[tilespmem:$0x5200] =	vst v63  }
0x13: {  	_ = 	snop  }
0x14: {  	[tilespmem:s10], [sflag:$0x4] =	stream.linear.gather [hbm4b:s0+s4], $0x100, $0x38;
	[tilespmem:$0x5200] =	vst v63  }
0x15: {  	_ = 	snop  }
0x16: {  	[tilespmem:s11], [sflag:$0x1] =	stream.linear.gather [hbm4b:s1+s4], $0x2000, $0x38;
	[tilespmem:$0x5200] =	vst v63  }
0x17: {  	_ = 	snop  }
0x18: {  	[tilespmem:s12], [sflag:$0x2] =	stream.linear.gather [hbm4b:s1+s4], $0x2000, $0x38;
	[tilespmem:$0x5200] =	vst v63  }
0x19: {  	_ =	swait.ge [sflag:s13], $0x1000  }
0x1a: {  	[sflag:s13] =	ssyncset.done $0x0  }
0x1b: {  	[sflag:s13] =	ssyncadd.s32 $0xFFFFF000  }
0x1c: {  	_ =	swait.ge [sflag:s14], $0x100  }
0x1d: {  	[sflag:s14] =	ssyncset.done $0x0  }
0x1e: {  	[sflag:s14] =	ssyncadd.s32 $0xFFFFFF00  }
0x1f: {  	_ =	swait.ge [sflag:s15], $0x2000  }
0x20: {  	[sflag:s15] =	ssyncset.done $0x0  }
0x21: {  	[sflag:s15] =	ssyncadd.s32 $0xFFFFE000  }
0x22: {  	v5 =	vld [tilespmem:$0x0]  }
0x23: {  	v6 =	vld.idx.msk [tilespmem:v0+s10+$0x0], $0xffff;
	_ =	sdelay $0x4  }
0x24: {  	vm0 =	vlt.f32 v6, v5  }
0x25: {  	v6 =	vsel vm0, $0x80, v1  }
0x26: {  	v7 =	vor.u32 $0x3F, v6;
	_ =	sdelay $0x4  }
0x27: {  	v7 =	vld.idx.msk [tilespmem:v7+s10+$0x0], $0xffff;
	_ =	sdelay $0x4  }
0x28: {  	v8 =	vor.u32 $0x40, v6;
	vm9 =	vlt.f32 v7, v5  }
0x29: {  	v7 =	vsel vm9, v8, v6  }
0x2a: {  	v8 =	vand.u32 $0x40, v7  }
0x2b: {  	v6 =	vor.u32 v8, v6  }
0x2c: {  	v6 =	vor.u32 $0x1F, v6;
	_ =	sdelay $0x4  }
0x2d: {  	v6 =	vld.idx.msk [tilespmem:v6+s10+$0x0], $0xffff;
	_ =	sdelay $0x4  }
0x2e: {  	v26 =	vor.u32 $0x20, v7;
	vm10 =	vlt.f32 v6, v5  }
0x2f: {  	v6 =	vsel vm10, v26, v7  }
0x30: {  	v7 =	vor.u32 $0xF, v6;
	_ =	sdelay $0x4  }
0x31: {  	v7 =	vld.idx.msk [tilespmem:v7+s10+$0x0], $0xffff;
	_ =	sdelay $0x4  }
0x32: {  	v8 =	vor.u32 $0x10, v6;
	vm11 =	vlt.f32 v7, v5  }
0x33: {  	v6 =	vsel vm11, v8, v6  }
0x34: {  	v7 =	vadd.s32 $0x7, v6;
	_ =	sdelay $0x4  }
0x35: {  	v7 =	vld.idx.msk [tilespmem:v7+s10+$0x0], $0xffff;
	_ =	sdelay $0x4  }
0x36: {  	v8 =	vadd.s32 $0x8, v6;
	vm12 =	vlt.f32 v7, v5  }
0x37: {  	v6 =	vsel vm12, v8, v6  }
0x38: {  	v7 =	vadd.s32 $0x3, v6;
	_ =	sdelay $0x4  }
0x39: {  	v7 =	vld.idx.msk [tilespmem:v7+s10+$0x0], $0xffff;
	_ =	sdelay $0x4  }
0x3a: {  	v8 =	vadd.s32 $0x4, v6;
	vm13 =	vlt.f32 v7, v5  }
0x3b: {  	v6 =	vsel vm13, v8, v6  }
0x3c: {  	v7 =	vadd.s32 $0x1, v6;
	_ =	sdelay $0x4  }
0x3d: {  	v7 =	vld.idx.msk [tilespmem:v7+s10+$0x0], $0xffff;
	_ =	sdelay $0x4  }
0x3e: {  	v8 =	vadd.s32 $0x2, v6;
	vm14 =	vlt.f32 v7, v5  }
0x3f: {  	v6 =	vsel vm14, v8, v6;
	_ =	sdelay $0x4  }
0x40: {  	v7 =	vld.idx.msk [tilespmem:v6+s10+$0x0], $0xffff;
	_ =	sdelay $0x4  }
0x41: {  	vm15 =	vlt.f32 v7, v5  }
0x42: {  	v7 =	vsel vm15, $0x1, v1  }
0x43: {  	v6 =	vadd.s32 v7, v6  }
0x44: {  	v6 =	vmax.u32 v6, $0x1  }
0x45: {  	v6 =	vmin.u32 v6, $0xFE  }
0x46: {  	v7 =	vadd.s32 $0xFFFFFFFF, v6;
	_ =	sdelay $0x3  }
0x47: {  	v9 =	vld.idx.msk [tilespmem:v6+s10+$0x0], $0xffff  }
0x48: {  	v27 =	vld.idx.msk [tilespmem:v7+s10+$0x0], $0xffff;
	_ =	sdelay $0x4  }
0x49: {  	v8 =	vsub.f32 v9, v27;
	_ =	sdelay $0x1  }
0x4a: {  	(erf) = vrcp.f32 v8;
	_ =	sdelay $0x6  }
0x4b: {  	v30 =	vshll.u32 v6, $0x3;
	v10 =	vshll.u32 v7, $0x3  }
0x4c: {  	v28 =	vand.u32 $0x7F, v7;
	v29 =	vand.u32 $0x400, v10;
	v5 =	vsub.f32 v9, v5  }
0x4d: {  	v31 =	vand.u32 $0x400, v30;
	v6 =	vand.u32 $0x7F, v6;
	v8 =	vor.u32 v29, v28;
	v11 =	vpop (erf)  }
0x4e: {  	v6 =	vor.u32 v31, v6;
	v8 =	vor.u32 v2, v8;
	v5 =	vmul.f32 v11, v5  }
0x4f: {  	v6 =	vor.u32 v2, v6  }
0x50: {  	v5 =	vmax.f32 v5, $0.0e+00  }
0x51: {  	v5 =	vmin.f32 v5, $1.000000000e+00  }
0x52: {  	v32 =	vsub.f32 $1.000000000e+00, v5  }
0x53: {  	[tilespmem:v8+s11+$0x0] =	vst.idx.msk $0xffff, v5  }
0x54: {  	[tilespmem:v6+s11+$0x0] =	vst.idx.msk $0xffff, v32  }
0x55: {  	[tilespmem:$0x5100] =	vst v7;
	v5 =	vld [tilespmem:$0x10]  }
0x56: {  	v6 =	vld.idx.msk [tilespmem:v0+s10+$0x0], $0xffff;
	_ =	sdelay $0x4  }
0x57: {  	vm4 =	vlt.f32 v6, v5  }
0x58: {  	v6 =	vsel vm4, $0x80, v1  }
0x59: {  	v7 =	vor.u32 $0x3F, v6;
	_ =	sdelay $0x4  }
0x5a: {  	v7 =	vld.idx.msk [tilespmem:v7+s10+$0x0], $0xffff;
	_ =	sdelay $0x4  }
0x5b: {  	v33 =	vor.u32 $0x40, v6;
	vm5 =	vlt.f32 v7, v5  }
0x5c: {  	v7 =	vsel vm5, v33, v6  }
0x5d: {  	v8 =	vand.u32 $0x40, v7  }
0x5e: {  	v6 =	vor.u32 v8, v6  }
0x5f: {  	v6 =	vor.u32 $0x1F, v6;
	_ =	sdelay $0x4  }
0x60: {  	v6 =	vld.idx.msk [tilespmem:v6+s10+$0x0], $0xffff;
	_ =	sdelay $0x4  }
0x61: {  	v34 =	vor.u32 $0x20, v7;
	vm6 =	vlt.f32 v6, v5  }
0x62: {  	v6 =	vsel vm6, v34, v7  }
0x63: {  	v7 =	vor.u32 $0xF, v6;
	_ =	sdelay $0x4  }
0x64: {  	v7 =	vld.idx.msk [tilespmem:v7+s10+$0x0], $0xffff;
	_ =	sdelay $0x4  }
0x65: {  	v8 =	vor.u32 $0x10, v6;
	vm7 =	vlt.f32 v7, v5  }
0x66: {  	v6 =	vsel vm7, v8, v6  }
0x67: {  	v7 =	vadd.s32 $0x7, v6;
	_ =	sdelay $0x4  }
0x68: {  	v7 =	vld.idx.msk [tilespmem:v7+s10+$0x0], $0xffff;
	_ =	sdelay $0x4  }
0x69: {  	v8 =	vadd.s32 $0x8, v6;
	vm8 =	vlt.f32 v7, v5  }
0x6a: {  	v6 =	vsel vm8, v8, v6  }
0x6b: {  	v7 =	vadd.s32 $0x3, v6;
	_ =	sdelay $0x4  }
0x6c: {  	v7 =	vld.idx.msk [tilespmem:v7+s10+$0x0], $0xffff;
	_ =	sdelay $0x4  }
0x6d: {  	v8 =	vadd.s32 $0x4, v6;
	vm9 =	vlt.f32 v7, v5  }
0x6e: {  	v6 =	vsel vm9, v8, v6  }
0x6f: {  	v7 =	vadd.s32 $0x1, v6;
	_ =	sdelay $0x4  }
0x70: {  	v7 =	vld.idx.msk [tilespmem:v7+s10+$0x0], $0xffff;
	_ =	sdelay $0x4  }
0x71: {  	v8 =	vadd.s32 $0x2, v6;
	vm10 =	vlt.f32 v7, v5  }
0x72: {  	v6 =	vsel vm10, v8, v6;
	_ =	sdelay $0x4  }
0x73: {  	v7 =	vld.idx.msk [tilespmem:v6+s10+$0x0], $0xffff;
	_ =	sdelay $0x4  }
0x74: {  	vm11 =	vlt.f32 v7, v5  }
0x75: {  	v7 =	vsel vm11, $0x1, v1  }
0x76: {  	v6 =	vadd.s32 v7, v6  }
0x77: {  	v6 =	vmax.u32 v6, $0x1  }
0x78: {  	v6 =	vmin.u32 v6, $0xFE  }
0x79: {  	v7 =	vadd.s32 $0xFFFFFFFF, v6;
	_ =	sdelay $0x3  }
0x7a: {  	v9 =	vld.idx.msk [tilespmem:v6+s10+$0x0], $0xffff  }
0x7b: {  	v35 =	vld.idx.msk [tilespmem:v7+s10+$0x0], $0xffff;
	_ =	sdelay $0x4  }
0x7c: {  	v8 =	vsub.f32 v9, v35;
	_ =	sdelay $0x1  }
0x7d: {  	(erf) = vrcp.f32 v8;
	_ =	sdelay $0x6  }
0x7e: {  	v39 =	vshll.u32 v6, $0x3;
	v37 =	vshll.u32 v7, $0x3  }
0x7f: {  	v36 =	vand.u32 $0x7F, v7;
	v38 =	vand.u32 $0x400, v37;
	v5 =	vsub.f32 v9, v5  }
0x80: {  	v41 =	vand.u32 $0x400, v39;
	v6 =	vand.u32 $0x7F, v6;
	v8 =	vor.u32 v38, v36;
	v40 =	vpop (erf)  }
0x81: {  	v6 =	vor.u32 v41, v6;
	v8 =	vor.u32 v3, v8;
	v5 =	vmul.f32 v40, v5  }
0x82: {  	v6 =	vor.u32 v3, v6  }
0x83: {  	v5 =	vmax.f32 v5, $0.0e+00  }
0x84: {  	v5 =	vmin.f32 v5, $1.000000000e+00  }
0x85: {  	v42 =	vsub.f32 $1.000000000e+00, v5  }
0x86: {  	[tilespmem:v8+s11+$0x0] =	vst.idx.msk $0xffff, v5  }
0x87: {  	[tilespmem:v6+s11+$0x0] =	vst.idx.msk $0xffff, v42  }
0x88: {  	[tilespmem:$0x5110] =	vst v7  }
0x89: {  	[hbm4b:s5+s4] =	stream.linear.scatter [tilespmem:s11], [sflag:$0x1], $0x2000, $0x38;
	[tilespmem:$0x5200] =	vst v63  }
0x8a: {  	_ =	swait.ge [sflag:s16], $0x2000  }
0x8b: {  	[sflag:s16] =	ssyncset.done $0x0  }
0x8c: {  	[sflag:s16] =	ssyncadd.s32 $0xFFFFE000  }
0x8d: {  	v5 =	vld [tilespmem:$0x20]  }
0x8e: {  	v6 =	vld.idx.msk [tilespmem:v0+s10+$0x0], $0xffff;
	_ =	sdelay $0x4  }
0x8f: {  	vm12 =	vlt.f32 v6, v5  }
0x90: {  	v6 =	vsel vm12, $0x80, v1  }
0x91: {  	v7 =	vor.u32 $0x3F, v6;
	_ =	sdelay $0x4  }
0x92: {  	v7 =	vld.idx.msk [tilespmem:v7+s10+$0x0], $0xffff;
	_ =	sdelay $0x4  }
0x93: {  	v43 =	vor.u32 $0x40, v6;
	vm13 =	vlt.f32 v7, v5  }
0x94: {  	v7 =	vsel vm13, v43, v6  }
0x95: {  	v8 =	vand.u32 $0x40, v7  }
0x96: {  	v6 =	vor.u32 v8, v6  }
0x97: {  	v6 =	vor.u32 $0x1F, v6;
	_ =	sdelay $0x4  }
0x98: {  	v6 =	vld.idx.msk [tilespmem:v6+s10+$0x0], $0xffff;
	_ =	sdelay $0x4  }
0x99: {  	v44 =	vor.u32 $0x20, v7;
	vm14 =	vlt.f32 v6, v5  }
0x9a: {  	v6 =	vsel vm14, v44, v7  }
0x9b: {  	v7 =	vor.u32 $0xF, v6;
	_ =	sdelay $0x4  }
0x9c: {  	v7 =	vld.idx.msk [tilespmem:v7+s10+$0x0], $0xffff;
	_ =	sdelay $0x4  }
0x9d: {  	v8 =	vor.u32 $0x10, v6;
	vm15 =	vlt.f32 v7, v5  }
0x9e: {  	v6 =	vsel vm15, v8, v6  }
0x9f: {  	v7 =	vadd.s32 $0x7, v6;
	_ =	sdelay $0x4  }
0xa0: {  	v7 =	vld.idx.msk [tilespmem:v7+s10+$0x0], $0xffff;
	_ =	sdelay $0x4  }
0xa1: {  	v8 =	vadd.s32 $0x8, v6;
	vm4 =	vlt.f32 v7, v5  }
0xa2: {  	v6 =	vsel vm4, v8, v6  }
0xa3: {  	v7 =	vadd.s32 $0x3, v6;
	_ =	sdelay $0x4  }
0xa4: {  	v7 =	vld.idx.msk [tilespmem:v7+s10+$0x0], $0xffff;
	_ =	sdelay $0x4  }
0xa5: {  	v8 =	vadd.s32 $0x4, v6;
	vm5 =	vlt.f32 v7, v5  }
0xa6: {  	v6 =	vsel vm5, v8, v6  }
0xa7: {  	v7 =	vadd.s32 $0x1, v6;
	_ =	sdelay $0x4  }
0xa8: {  	v7 =	vld.idx.msk [tilespmem:v7+s10+$0x0], $0xffff;
	_ =	sdelay $0x4  }
0xa9: {  	v8 =	vadd.s32 $0x2, v6;
	vm6 =	vlt.f32 v7, v5  }
0xaa: {  	v6 =	vsel vm6, v8, v6;
	_ =	sdelay $0x4  }
0xab: {  	v7 =	vld.idx.msk [tilespmem:v6+s10+$0x0], $0xffff;
	_ =	sdelay $0x4  }
0xac: {  	vm7 =	vlt.f32 v7, v5  }
0xad: {  	v7 =	vsel vm7, $0x1, v1  }
0xae: {  	v6 =	vadd.s32 v7, v6  }
0xaf: {  	v6 =	vmax.u32 v6, $0x1  }
0xb0: {  	v6 =	vmin.u32 v6, $0xFE  }
0xb1: {  	v7 =	vadd.s32 $0xFFFFFFFF, v6;
	_ =	sdelay $0x3  }
0xb2: {  	v46 =	vld.idx.msk [tilespmem:v6+s10+$0x0], $0xffff  }
0xb3: {  	v45 =	vld.idx.msk [tilespmem:v7+s10+$0x0], $0xffff;
	_ =	sdelay $0x4  }
0xb4: {  	v8 =	vsub.f32 v46, v45;
	_ =	sdelay $0x1  }
0xb5: {  	(erf) = vrcp.f32 v8;
	_ =	sdelay $0x6  }
0xb6: {  	v50 =	vshll.u32 v6, $0x3;
	v48 =	vshll.u32 v7, $0x3  }
0xb7: {  	v47 =	vand.u32 $0x7F, v7;
	v49 =	vand.u32 $0x400, v48;
	v5 =	vsub.f32 v46, v5  }
0xb8: {  	v52 =	vand.u32 $0x400, v50;
	v6 =	vand.u32 $0x7F, v6;
	v8 =	vor.u32 v49, v47;
	v51 =	vpop (erf)  }
0xb9: {  	v6 =	vor.u32 v52, v6;
	v8 =	vor.u32 v2, v8;
	v5 =	vmul.f32 v51, v5  }
0xba: {  	v6 =	vor.u32 v2, v6  }
0xbb: {  	v5 =	vmax.f32 v5, $0.0e+00  }
0xbc: {  	v5 =	vmin.f32 v5, $1.000000000e+00  }
0xbd: {  	v53 =	vsub.f32 $1.000000000e+00, v5  }
0xbe: {  	[tilespmem:v8+s12+$0x0] =	vst.idx.msk $0xffff, v5  }
0xbf: {  	[tilespmem:v6+s12+$0x0] =	vst.idx.msk $0xffff, v53  }
0xc0: {  	[tilespmem:$0x5180] =	vst v7;
	v5 =	vld [tilespmem:$0x30]  }
0xc1: {  	v6 =	vld.idx.msk [tilespmem:v0+s10+$0x0], $0xffff;
	_ =	sdelay $0x4  }
0xc2: {  	vm8 =	vlt.f32 v6, v5  }
0xc3: {  	v6 =	vsel vm8, $0x80, v1  }
0xc4: {  	v7 =	vor.u32 $0x3F, v6;
	_ =	sdelay $0x4  }
0xc5: {  	v7 =	vld.idx.msk [tilespmem:v7+s10+$0x0], $0xffff;
	_ =	sdelay $0x4  }
0xc6: {  	v54 =	vor.u32 $0x40, v6;
	vm9 =	vlt.f32 v7, v5  }
0xc7: {  	v7 =	vsel vm9, v54, v6  }
0xc8: {  	v8 =	vand.u32 $0x40, v7  }
0xc9: {  	v6 =	vor.u32 v8, v6  }
0xca: {  	v6 =	vor.u32 $0x1F, v6;
	_ =	sdelay $0x4  }
0xcb: {  	v6 =	vld.idx.msk [tilespmem:v6+s10+$0x0], $0xffff;
	_ =	sdelay $0x4  }
0xcc: {  	v55 =	vor.u32 $0x20, v7;
	vm10 =	vlt.f32 v6, v5  }
0xcd: {  	v6 =	vsel vm10, v55, v7  }
0xce: {  	v7 =	vor.u32 $0xF, v6;
	_ =	sdelay $0x4  }
0xcf: {  	v7 =	vld.idx.msk [tilespmem:v7+s10+$0x0], $0xffff;
	_ =	sdelay $0x4  }
0xd0: {  	v8 =	vor.u32 $0x10, v6;
	vm11 =	vlt.f32 v7, v5  }
0xd1: {  	v6 =	vsel vm11, v8, v6  }
0xd2: {  	v7 =	vadd.s32 $0x7, v6;
	_ =	sdelay $0x4  }
0xd3: {  	v7 =	vld.idx.msk [tilespmem:v7+s10+$0x0], $0xffff;
	_ =	sdelay $0x4  }
0xd4: {  	v8 =	vadd.s32 $0x8, v6;
	vm12 =	vlt.f32 v7, v5  }
0xd5: {  	v6 =	vsel vm12, v8, v6  }
0xd6: {  	v7 =	vadd.s32 $0x3, v6;
	_ =	sdelay $0x4  }
0xd7: {  	v7 =	vld.idx.msk [tilespmem:v7+s10+$0x0], $0xffff;
	_ =	sdelay $0x4  }
0xd8: {  	v8 =	vadd.s32 $0x4, v6;
	vm13 =	vlt.f32 v7, v5  }
0xd9: {  	v6 =	vsel vm13, v8, v6  }
0xda: {  	v7 =	vadd.s32 $0x1, v6;
	_ =	sdelay $0x4  }
0xdb: {  	v7 =	vld.idx.msk [tilespmem:v7+s10+$0x0], $0xffff;
	_ =	sdelay $0x4  }
0xdc: {  	v8 =	vadd.s32 $0x2, v6;
	vm14 =	vlt.f32 v7, v5  }
0xdd: {  	v6 =	vsel vm14, v8, v6;
	_ =	sdelay $0x4  }
0xde: {  	v7 =	vld.idx.msk [tilespmem:v6+s10+$0x0], $0xffff;
	_ =	sdelay $0x4  }
0xdf: {  	vm15 =	vlt.f32 v7, v5  }
0xe0: {  	v7 =	vsel vm15, $0x1, v1  }
0xe1: {  	v6 =	vadd.s32 v7, v6  }
0xe2: {  	v6 =	vmax.u32 v6, $0x1  }
0xe3: {  	v6 =	vmin.u32 v6, $0xFE  }
0xe4: {  	v7 =	vadd.s32 $0xFFFFFFFF, v6;
	_ =	sdelay $0x3  }
0xe5: {  	v9 =	vld.idx.msk [tilespmem:v6+s10+$0x0], $0xffff  }
0xe6: {  	v56 =	vld.idx.msk [tilespmem:v7+s10+$0x0], $0xffff;
	_ =	sdelay $0x4  }
0xe7: {  	v8 =	vsub.f32 v9, v56;
	_ =	sdelay $0x1  }
0xe8: {  	(erf) = vrcp.f32 v8;
	_ =	sdelay $0x6  }
0xe9: {  	v60 =	vshll.u32 v6, $0x3;
	v58 =	vshll.u32 v7, $0x3  }
0xea: {  	v57 =	vand.u32 $0x7F, v7;
	v59 =	vand.u32 $0x400, v58;
	v5 =	vsub.f32 v9, v5  }
0xeb: {  	v62 =	vand.u32 $0x400, v60;
	v6 =	vand.u32 $0x7F, v6;
	v8 =	vor.u32 v59, v57;
	v61 =	vpop (erf)  }
0xec: {  	v6 =	vor.u32 v62, v6;
	v8 =	vor.u32 v3, v8;
	v5 =	vmul.f32 v61, v5  }
0xed: {  	v6 =	vor.u32 v3, v6  }
0xee: {  	v5 =	vmax.f32 v5, $0.0e+00  }
0xef: {  	v5 =	vmin.f32 v5, $1.000000000e+00  }
0xf0: {  	v63 =	vsub.f32 $1.000000000e+00, v5  }
0xf1: {  	[tilespmem:v8+s12+$0x0] =	vst.idx.msk $0xffff, v5  }
0xf2: {  	[tilespmem:v6+s12+$0x0] =	vst.idx.msk $0xffff, v63  }
0xf3: {  	s18 =	simm.s32 $0xFFFE0800;
	s19 =	simm.s32 $0x70;
	[tilespmem:$0x5190] =	vst v7  }
0xf4: {  	[hbm4b:s7+s4] =	stream.linear.scatter [tilespmem:s12], [sflag:$0x2], $0x2000, $0x38;
	[tilespmem:$0x5200] =	vst v63  }
.LBB2_2:
0xf5: {  	_ =	swait.ge [sflag:s15], $0x2000  }
0xf6: {  	[sflag:s15] =	ssyncset.done $0x0  }
0xf7: {  	[sflag:s15] =	ssyncadd.s32 $0xFFFFE000  }
0xf8: {  	v5 =	vld [tilespmem:$0x5100];
	_ =	sdelay $0x4  }
0xf9: {  	v6 =	vshll.u32 v5, $0x3;
	v7 =	vadd.s32 $0x1, v5  }
0xfa: {  	v5 =	vand.u32 $0x7F, v5;
	v6 =	vand.u32 $0xFFFFFC00, v6;
	v8 =	vshll.u32 v7, $0x3  }
0xfb: {  	v5 =	vor.u32 v5, v6;
	v6 =	vand.u32 $0x7F, v7;
	v7 =	vand.u32 $0xFFFFFC00, v8  }
0xfc: {  	v5 =	vadd.s32 v2, v5;
	v6 =	vor.u32 v6, v7  }
0xfd: {  	v6 =	vadd.s32 v2, v6;
	_ =	sdelay $0x3  }
0xfe: {  	[tilespmem:v5+s11+$0x0] =	vst.idx.msk $0xffff, v4  }
0xff: {  	[tilespmem:v6+s11+$0x0] =	vst.idx.msk $0xffff, v4  }
0x100: {  	v5 =	vld [tilespmem:$0x5110];
	_ =	sdelay $0x4  }
0x101: {  	v6 =	vshll.u32 v5, $0x3;
	v7 =	vadd.s32 $0x1, v5  }
0x102: {  	v5 =	vand.u32 $0x7F, v5;
	v6 =	vand.u32 $0xFFFFFC00, v6;
	v22 =	vshll.u32 v7, $0x3  }
0x103: {  	v5 =	vor.u32 v5, v6;
	v6 =	vand.u32 $0x7F, v7;
	v7 =	vand.u32 $0xFFFFFC00, v22  }
0x104: {  	v5 =	vadd.s32 v3, v5;
	v6 =	vor.u32 v6, v7  }
0x105: {  	v6 =	vadd.s32 v3, v6;
	_ =	sdelay $0x3  }
0x106: {  	[tilespmem:v5+s11+$0x0] =	vst.idx.msk $0xffff, v4  }
0x107: {  	[tilespmem:v6+s11+$0x0] =	vst.idx.msk $0xffff, v4  }
0x108: {  	v5 =	vld [tilespmem:s19+$0xFFFFFFD0]  }
0x109: {  	v6 =	vld.idx.msk [tilespmem:v0+s10+$0x0], $0xffff;
	_ =	sdelay $0x4  }
0x10a: {  	vm0 =	vlt.f32 v6, v5  }
0x10b: {  	v6 =	vsel vm0, $0x80, v1  }
0x10c: {  	v7 =	vor.u32 $0x3F, v6;
	_ =	sdelay $0x4  }
0x10d: {  	v7 =	vld.idx.msk [tilespmem:v7+s10+$0x0], $0xffff;
	_ =	sdelay $0x4  }
0x10e: {  	v23 =	vor.u32 $0x40, v6;
	vm9 =	vlt.f32 v7, v5  }
0x10f: {  	v7 =	vsel vm9, v23, v6  }
0x110: {  	v8 =	vand.u32 $0x40, v7  }
0x111: {  	v6 =	vor.u32 v8, v6  }
0x112: {  	v6 =	vor.u32 $0x1F, v6;
	_ =	sdelay $0x4  }
0x113: {  	v6 =	vld.idx.msk [tilespmem:v6+s10+$0x0], $0xffff;
	_ =	sdelay $0x4  }
0x114: {  	v24 =	vor.u32 $0x20, v7;
	vm10 =	vlt.f32 v6, v5  }
0x115: {  	v6 =	vsel vm10, v24, v7  }
0x116: {  	v7 =	vor.u32 $0xF, v6;
	_ =	sdelay $0x4  }
0x117: {  	v7 =	vld.idx.msk [tilespmem:v7+s10+$0x0], $0xffff;
	_ =	sdelay $0x4  }
0x118: {  	v8 =	vor.u32 $0x10, v6;
	vm11 =	vlt.f32 v7, v5  }
0x119: {  	v6 =	vsel vm11, v8, v6  }
0x11a: {  	v7 =	vadd.s32 $0x7, v6;
	_ =	sdelay $0x4  }
0x11b: {  	v7 =	vld.idx.msk [tilespmem:v7+s10+$0x0], $0xffff;
	_ =	sdelay $0x4  }
0x11c: {  	v8 =	vadd.s32 $0x8, v6;
	vm12 =	vlt.f32 v7, v5  }
0x11d: {  	v6 =	vsel vm12, v8, v6  }
0x11e: {  	v7 =	vadd.s32 $0x3, v6;
	_ =	sdelay $0x4  }
0x11f: {  	v7 =	vld.idx.msk [tilespmem:v7+s10+$0x0], $0xffff;
	_ =	sdelay $0x4  }
0x120: {  	v8 =	vadd.s32 $0x4, v6;
	vm13 =	vlt.f32 v7, v5  }
0x121: {  	v6 =	vsel vm13, v8, v6  }
0x122: {  	v7 =	vadd.s32 $0x1, v6;
	_ =	sdelay $0x4  }
0x123: {  	v7 =	vld.idx.msk [tilespmem:v7+s10+$0x0], $0xffff;
	_ =	sdelay $0x4  }
0x124: {  	v8 =	vadd.s32 $0x2, v6;
	vm14 =	vlt.f32 v7, v5  }
0x125: {  	v6 =	vsel vm14, v8, v6;
	_ =	sdelay $0x4  }
0x126: {  	v7 =	vld.idx.msk [tilespmem:v6+s10+$0x0], $0xffff;
	_ =	sdelay $0x4  }
0x127: {  	vm15 =	vlt.f32 v7, v5  }
0x128: {  	v7 =	vsel vm15, $0x1, v1  }
0x129: {  	v6 =	vadd.s32 v7, v6  }
0x12a: {  	v6 =	vmax.u32 v6, $0x1  }
0x12b: {  	v6 =	vmin.u32 v6, $0xFE  }
0x12c: {  	v7 =	vadd.s32 $0xFFFFFFFF, v6;
	_ =	sdelay $0x3  }
0x12d: {  	v9 =	vld.idx.msk [tilespmem:v6+s10+$0x0], $0xffff  }
0x12e: {  	v25 =	vld.idx.msk [tilespmem:v7+s10+$0x0], $0xffff;
	_ =	sdelay $0x4  }
0x12f: {  	v8 =	vsub.f32 v9, v25;
	_ =	sdelay $0x1  }
0x130: {  	(erf) = vrcp.f32 v8;
	_ =	sdelay $0x6  }
0x131: {  	v28 =	vshll.u32 v6, $0x3;
	v10 =	vshll.u32 v7, $0x3  }
0x132: {  	v26 =	vand.u32 $0x7F, v7;
	v27 =	vand.u32 $0x400, v10;
	v5 =	vsub.f32 v9, v5  }
0x133: {  	v29 =	vand.u32 $0x400, v28;
	v6 =	vand.u32 $0x7F, v6;
	v8 =	vor.u32 v27, v26;
	v11 =	vpop (erf)  }
0x134: {  	v6 =	vor.u32 v29, v6;
	v8 =	vor.u32 v2, v8;
	v5 =	vmul.f32 v11, v5  }
0x135: {  	v6 =	vor.u32 v2, v6  }
0x136: {  	v5 =	vmax.f32 v5, $0.0e+00  }
0x137: {  	v5 =	vmin.f32 v5, $1.000000000e+00  }
0x138: {  	v30 =	vsub.f32 $1.000000000e+00, v5  }
0x139: {  	[tilespmem:v8+s11+$0x0] =	vst.idx.msk $0xffff, v5  }
0x13a: {  	[tilespmem:v6+s11+$0x0] =	vst.idx.msk $0xffff, v30  }
0x13b: {  	[tilespmem:$0x5100] =	vst v7  }
0x13c: {  	v5 =	vld [tilespmem:s19+$0xFFFFFFE0]  }
0x13d: {  	v6 =	vld.idx.msk [tilespmem:v0+s10+$0x0], $0xffff;
	_ =	sdelay $0x4  }
0x13e: {  	vm4 =	vlt.f32 v6, v5  }
0x13f: {  	v6 =	vsel vm4, $0x80, v1  }
0x140: {  	v7 =	vor.u32 $0x3F, v6;
	_ =	sdelay $0x4  }
0x141: {  	v7 =	vld.idx.msk [tilespmem:v7+s10+$0x0], $0xffff;
	_ =	sdelay $0x4  }
0x142: {  	v31 =	vor.u32 $0x40, v6;
	vm5 =	vlt.f32 v7, v5  }
0x143: {  	v7 =	vsel vm5, v31, v6  }
0x144: {  	v8 =	vand.u32 $0x40, v7  }
0x145: {  	v6 =	vor.u32 v8, v6  }
0x146: {  	v6 =	vor.u32 $0x1F, v6;
	_ =	sdelay $0x4  }
0x147: {  	v6 =	vld.idx.msk [tilespmem:v6+s10+$0x0], $0xffff;
	_ =	sdelay $0x4  }
0x148: {  	v32 =	vor.u32 $0x20, v7;
	vm6 =	vlt.f32 v6, v5  }
0x149: {  	v6 =	vsel vm6, v32, v7  }
0x14a: {  	v7 =	vor.u32 $0xF, v6;
	_ =	sdelay $0x4  }
0x14b: {  	v7 =	vld.idx.msk [tilespmem:v7+s10+$0x0], $0xffff;
	_ =	sdelay $0x4  }
0x14c: {  	v8 =	vor.u32 $0x10, v6;
	vm7 =	vlt.f32 v7, v5  }
0x14d: {  	v6 =	vsel vm7, v8, v6  }
0x14e: {  	v7 =	vadd.s32 $0x7, v6;
	_ =	sdelay $0x4  }
0x14f: {  	v7 =	vld.idx.msk [tilespmem:v7+s10+$0x0], $0xffff;
	_ =	sdelay $0x4  }
0x150: {  	v8 =	vadd.s32 $0x8, v6;
	vm8 =	vlt.f32 v7, v5  }
0x151: {  	v6 =	vsel vm8, v8, v6  }
0x152: {  	v7 =	vadd.s32 $0x3, v6;
	_ =	sdelay $0x4  }
0x153: {  	v7 =	vld.idx.msk [tilespmem:v7+s10+$0x0], $0xffff;
	_ =	sdelay $0x4  }
0x154: {  	v8 =	vadd.s32 $0x4, v6;
	vm9 =	vlt.f32 v7, v5  }
0x155: {  	v6 =	vsel vm9, v8, v6  }
0x156: {  	v7 =	vadd.s32 $0x1, v6;
	_ =	sdelay $0x4  }
0x157: {  	v7 =	vld.idx.msk [tilespmem:v7+s10+$0x0], $0xffff;
	_ =	sdelay $0x4  }
0x158: {  	v8 =	vadd.s32 $0x2, v6;
	vm10 =	vlt.f32 v7, v5  }
0x159: {  	v6 =	vsel vm10, v8, v6;
	_ =	sdelay $0x4  }
0x15a: {  	v7 =	vld.idx.msk [tilespmem:v6+s10+$0x0], $0xffff;
	_ =	sdelay $0x4  }
0x15b: {  	vm11 =	vlt.f32 v7, v5  }
0x15c: {  	v7 =	vsel vm11, $0x1, v1  }
0x15d: {  	v6 =	vadd.s32 v7, v6  }
0x15e: {  	v6 =	vmax.u32 v6, $0x1  }
0x15f: {  	v6 =	vmin.u32 v6, $0xFE  }
0x160: {  	v7 =	vadd.s32 $0xFFFFFFFF, v6;
	_ =	sdelay $0x3  }
0x161: {  	v9 =	vld.idx.msk [tilespmem:v6+s10+$0x0], $0xffff  }
0x162: {  	v33 =	vld.idx.msk [tilespmem:v7+s10+$0x0], $0xffff;
	_ =	sdelay $0x4  }
0x163: {  	v8 =	vsub.f32 v9, v33;
	_ =	sdelay $0x1  }
0x164: {  	(erf) = vrcp.f32 v8;
	_ =	sdelay $0x6  }
0x165: {  	v37 =	vshll.u32 v6, $0x3;
	v35 =	vshll.u32 v7, $0x3  }
0x166: {  	v34 =	vand.u32 $0x7F, v7;
	v36 =	vand.u32 $0x400, v35;
	v5 =	vsub.f32 v9, v5  }
0x167: {  	v39 =	vand.u32 $0x400, v37;
	v6 =	vand.u32 $0x7F, v6;
	v8 =	vor.u32 v36, v34;
	v38 =	vpop (erf)  }
0x168: {  	v6 =	vor.u32 v39, v6;
	v8 =	vor.u32 v3, v8;
	v5 =	vmul.f32 v38, v5  }
0x169: {  	v6 =	vor.u32 v3, v6  }
0x16a: {  	v5 =	vmax.f32 v5, $0.0e+00  }
0x16b: {  	v5 =	vmin.f32 v5, $1.000000000e+00  }
0x16c: {  	v40 =	vsub.f32 $1.000000000e+00, v5  }
0x16d: {  	[tilespmem:v8+s11+$0x0] =	vst.idx.msk $0xffff, v5  }
0x16e: {  	s20 =	sadd.s32 s18, s9;
	[tilespmem:v6+s11+$0x0] =	vst.idx.msk $0xffff, v40  }
0x16f: {  	s21 =	sadd.s32 $0x20000, s20;
	[tilespmem:$0x5110] =	vst v7  }
0x170: {  	[hbm4b:s21+s4] =	stream.linear.scatter [tilespmem:s11], [sflag:$0x1], $0x2000, $0x38;
	[tilespmem:$0x5200] =	vst v63  }
0x171: {  	_ =	swait.ge [sflag:s16], $0x2000  }
0x172: {  	[sflag:s16] =	ssyncset.done $0x0  }
0x173: {  	[sflag:s16] =	ssyncadd.s32 $0xFFFFE000  }
0x174: {  	v5 =	vld [tilespmem:$0x5180];
	_ =	sdelay $0x4  }
0x175: {  	v6 =	vshll.u32 v5, $0x3;
	v7 =	vadd.s32 $0x1, v5  }
0x176: {  	v5 =	vand.u32 $0x7F, v5;
	v6 =	vand.u32 $0xFFFFFC00, v6;
	v41 =	vshll.u32 v7, $0x3  }
0x177: {  	v5 =	vor.u32 v5, v6;
	v6 =	vand.u32 $0x7F, v7;
	v7 =	vand.u32 $0xFFFFFC00, v41  }
0x178: {  	v5 =	vadd.s32 v2, v5;
	v6 =	vor.u32 v6, v7  }
0x179: {  	v6 =	vadd.s32 v2, v6;
	_ =	sdelay $0x3  }
0x17a: {  	[tilespmem:v5+s12+$0x0] =	vst.idx.msk $0xffff, v4  }
0x17b: {  	[tilespmem:v6+s12+$0x0] =	vst.idx.msk $0xffff, v4  }
0x17c: {  	v5 =	vld [tilespmem:$0x5190];
	_ =	sdelay $0x4  }
0x17d: {  	v6 =	vshll.u32 v5, $0x3;
	v7 =	vadd.s32 $0x1, v5  }
0x17e: {  	v5 =	vand.u32 $0x7F, v5;
	v6 =	vand.u32 $0xFFFFFC00, v6;
	v42 =	vshll.u32 v7, $0x3  }
0x17f: {  	v5 =	vor.u32 v5, v6;
	v6 =	vand.u32 $0x7F, v7;
	v7 =	vand.u32 $0xFFFFFC00, v42  }
0x180: {  	v5 =	vadd.s32 v3, v5;
	v6 =	vor.u32 v6, v7  }
0x181: {  	v6 =	vadd.s32 v3, v6;
	_ =	sdelay $0x3  }
0x182: {  	[tilespmem:v5+s12+$0x0] =	vst.idx.msk $0xffff, v4  }
0x183: {  	[tilespmem:v6+s12+$0x0] =	vst.idx.msk $0xffff, v4  }
0x184: {  	v5 =	vld [tilespmem:s19+$0xFFFFFFF0]  }
0x185: {  	v6 =	vld.idx.msk [tilespmem:v0+s10+$0x0], $0xffff;
	_ =	sdelay $0x4  }
0x186: {  	vm12 =	vlt.f32 v6, v5  }
0x187: {  	v6 =	vsel vm12, $0x80, v1  }
0x188: {  	v7 =	vor.u32 $0x3F, v6;
	_ =	sdelay $0x4  }
0x189: {  	v7 =	vld.idx.msk [tilespmem:v7+s10+$0x0], $0xffff;
	_ =	sdelay $0x4  }
0x18a: {  	v43 =	vor.u32 $0x40, v6;
	vm13 =	vlt.f32 v7, v5  }
0x18b: {  	v7 =	vsel vm13, v43, v6  }
0x18c: {  	v8 =	vand.u32 $0x40, v7  }
0x18d: {  	v6 =	vor.u32 v8, v6  }
0x18e: {  	v6 =	vor.u32 $0x1F, v6;
	_ =	sdelay $0x4  }
0x18f: {  	v6 =	vld.idx.msk [tilespmem:v6+s10+$0x0], $0xffff;
	_ =	sdelay $0x4  }
0x190: {  	v44 =	vor.u32 $0x20, v7;
	vm14 =	vlt.f32 v6, v5  }
0x191: {  	v6 =	vsel vm14, v44, v7  }
0x192: {  	v7 =	vor.u32 $0xF, v6;
	_ =	sdelay $0x4  }
0x193: {  	v7 =	vld.idx.msk [tilespmem:v7+s10+$0x0], $0xffff;
	_ =	sdelay $0x4  }
0x194: {  	v8 =	vor.u32 $0x10, v6;
	vm15 =	vlt.f32 v7, v5  }
0x195: {  	v6 =	vsel vm15, v8, v6  }
0x196: {  	v7 =	vadd.s32 $0x7, v6;
	_ =	sdelay $0x4  }
0x197: {  	v7 =	vld.idx.msk [tilespmem:v7+s10+$0x0], $0xffff;
	_ =	sdelay $0x4  }
0x198: {  	v8 =	vadd.s32 $0x8, v6;
	vm4 =	vlt.f32 v7, v5  }
0x199: {  	v6 =	vsel vm4, v8, v6  }
0x19a: {  	v7 =	vadd.s32 $0x3, v6;
	_ =	sdelay $0x4  }
0x19b: {  	v7 =	vld.idx.msk [tilespmem:v7+s10+$0x0], $0xffff;
	_ =	sdelay $0x4  }
0x19c: {  	v8 =	vadd.s32 $0x4, v6;
	vm5 =	vlt.f32 v7, v5  }
0x19d: {  	v6 =	vsel vm5, v8, v6  }
0x19e: {  	v7 =	vadd.s32 $0x1, v6;
	_ =	sdelay $0x4  }
0x19f: {  	v7 =	vld.idx.msk [tilespmem:v7+s10+$0x0], $0xffff;
	_ =	sdelay $0x4  }
0x1a0: {  	v8 =	vadd.s32 $0x2, v6;
	vm6 =	vlt.f32 v7, v5  }
0x1a1: {  	v6 =	vsel vm6, v8, v6;
	_ =	sdelay $0x4  }
0x1a2: {  	v7 =	vld.idx.msk [tilespmem:v6+s10+$0x0], $0xffff;
	_ =	sdelay $0x4  }
0x1a3: {  	vm7 =	vlt.f32 v7, v5  }
0x1a4: {  	v7 =	vsel vm7, $0x1, v1  }
0x1a5: {  	v6 =	vadd.s32 v7, v6  }
0x1a6: {  	v6 =	vmax.u32 v6, $0x1  }
0x1a7: {  	v6 =	vmin.u32 v6, $0xFE  }
0x1a8: {  	v7 =	vadd.s32 $0xFFFFFFFF, v6;
	_ =	sdelay $0x3  }
0x1a9: {  	v46 =	vld.idx.msk [tilespmem:v6+s10+$0x0], $0xffff  }
0x1aa: {  	v45 =	vld.idx.msk [tilespmem:v7+s10+$0x0], $0xffff;
	_ =	sdelay $0x4  }
0x1ab: {  	v8 =	vsub.f32 v46, v45;
	_ =	sdelay $0x1  }
0x1ac: {  	(erf) = vrcp.f32 v8;
	_ =	sdelay $0x6  }
0x1ad: {  	v50 =	vshll.u32 v6, $0x3;
	v48 =	vshll.u32 v7, $0x3  }
0x1ae: {  	v47 =	vand.u32 $0x7F, v7;
	v49 =	vand.u32 $0x400, v48;
	v5 =	vsub.f32 v46, v5  }
0x1af: {  	v52 =	vand.u32 $0x400, v50;
	v6 =	vand.u32 $0x7F, v6;
	v8 =	vor.u32 v49, v47;
	v51 =	vpop (erf)  }
0x1b0: {  	v6 =	vor.u32 v52, v6;
	v8 =	vor.u32 v2, v8;
	v5 =	vmul.f32 v51, v5  }
0x1b1: {  	v6 =	vor.u32 v2, v6  }
0x1b2: {  	v5 =	vmax.f32 v5, $0.0e+00  }
0x1b3: {  	v5 =	vmin.f32 v5, $1.000000000e+00  }
0x1b4: {  	v53 =	vsub.f32 $1.000000000e+00, v5  }
0x1b5: {  	[tilespmem:v8+s12+$0x0] =	vst.idx.msk $0xffff, v5  }
0x1b6: {  	[tilespmem:v6+s12+$0x0] =	vst.idx.msk $0xffff, v53  }
0x1b7: {  	[tilespmem:$0x5180] =	vst v7  }
0x1b8: {  	v5 =	vld [tilespmem:s19+$0x0]  }
0x1b9: {  	v6 =	vld.idx.msk [tilespmem:v0+s10+$0x0], $0xffff;
	_ =	sdelay $0x4  }
0x1ba: {  	vm8 =	vlt.f32 v6, v5  }
0x1bb: {  	v6 =	vsel vm8, $0x80, v1  }
0x1bc: {  	v7 =	vor.u32 $0x3F, v6;
	_ =	sdelay $0x4  }
0x1bd: {  	v7 =	vld.idx.msk [tilespmem:v7+s10+$0x0], $0xffff;
	_ =	sdelay $0x4  }
0x1be: {  	v54 =	vor.u32 $0x40, v6;
	vm9 =	vlt.f32 v7, v5  }
0x1bf: {  	v7 =	vsel vm9, v54, v6  }
0x1c0: {  	v8 =	vand.u32 $0x40, v7  }
0x1c1: {  	v6 =	vor.u32 v8, v6  }
0x1c2: {  	v6 =	vor.u32 $0x1F, v6;
	_ =	sdelay $0x4  }
0x1c3: {  	v6 =	vld.idx.msk [tilespmem:v6+s10+$0x0], $0xffff;
	_ =	sdelay $0x4  }
0x1c4: {  	v55 =	vor.u32 $0x20, v7;
	vm10 =	vlt.f32 v6, v5  }
0x1c5: {  	v6 =	vsel vm10, v55, v7  }
0x1c6: {  	v7 =	vor.u32 $0xF, v6;
	_ =	sdelay $0x4  }
0x1c7: {  	v7 =	vld.idx.msk [tilespmem:v7+s10+$0x0], $0xffff;
	_ =	sdelay $0x4  }
0x1c8: {  	v8 =	vor.u32 $0x10, v6;
	vm11 =	vlt.f32 v7, v5  }
0x1c9: {  	v6 =	vsel vm11, v8, v6  }
0x1ca: {  	v7 =	vadd.s32 $0x7, v6;
	_ =	sdelay $0x4  }
0x1cb: {  	v7 =	vld.idx.msk [tilespmem:v7+s10+$0x0], $0xffff;
	_ =	sdelay $0x4  }
0x1cc: {  	v8 =	vadd.s32 $0x8, v6;
	vm12 =	vlt.f32 v7, v5  }
0x1cd: {  	v6 =	vsel vm12, v8, v6  }
0x1ce: {  	v7 =	vadd.s32 $0x3, v6;
	_ =	sdelay $0x4  }
0x1cf: {  	v7 =	vld.idx.msk [tilespmem:v7+s10+$0x0], $0xffff;
	_ =	sdelay $0x4  }
0x1d0: {  	v8 =	vadd.s32 $0x4, v6;
	vm13 =	vlt.f32 v7, v5  }
0x1d1: {  	v6 =	vsel vm13, v8, v6  }
0x1d2: {  	v7 =	vadd.s32 $0x1, v6;
	_ =	sdelay $0x4  }
0x1d3: {  	v7 =	vld.idx.msk [tilespmem:v7+s10+$0x0], $0xffff;
	_ =	sdelay $0x4  }
0x1d4: {  	v8 =	vadd.s32 $0x2, v6;
	vm14 =	vlt.f32 v7, v5  }
0x1d5: {  	v6 =	vsel vm14, v8, v6;
	_ =	sdelay $0x4  }
0x1d6: {  	v7 =	vld.idx.msk [tilespmem:v6+s10+$0x0], $0xffff;
	_ =	sdelay $0x4  }
0x1d7: {  	vm15 =	vlt.f32 v7, v5  }
0x1d8: {  	v7 =	vsel vm15, $0x1, v1  }
0x1d9: {  	v6 =	vadd.s32 v7, v6  }
0x1da: {  	v6 =	vmax.u32 v6, $0x1  }
0x1db: {  	v6 =	vmin.u32 v6, $0xFE  }
0x1dc: {  	v7 =	vadd.s32 $0xFFFFFFFF, v6;
	_ =	sdelay $0x3  }
0x1dd: {  	v9 =	vld.idx.msk [tilespmem:v6+s10+$0x0], $0xffff  }
0x1de: {  	v56 =	vld.idx.msk [tilespmem:v7+s10+$0x0], $0xffff;
	_ =	sdelay $0x4  }
0x1df: {  	v8 =	vsub.f32 v9, v56;
	_ =	sdelay $0x1  }
0x1e0: {  	(erf) = vrcp.f32 v8;
	_ =	sdelay $0x6  }
0x1e1: {  	v60 =	vshll.u32 v6, $0x3;
	v58 =	vshll.u32 v7, $0x3  }
0x1e2: {  	v57 =	vand.u32 $0x7F, v7;
	v59 =	vand.u32 $0x400, v58;
	v5 =	vsub.f32 v9, v5  }
0x1e3: {  	v62 =	vand.u32 $0x400, v60;
	v6 =	vand.u32 $0x7F, v6;
	v8 =	vor.u32 v59, v57;
	v61 =	vpop (erf)  }
0x1e4: {  	v6 =	vor.u32 v62, v6;
	v8 =	vor.u32 v3, v8;
	v5 =	vmul.f32 v61, v5  }
0x1e5: {  	v6 =	vor.u32 v3, v6  }
0x1e6: {  	v5 =	vmax.f32 v5, $0.0e+00  }
0x1e7: {  	p0 =	sne.s32 s18, $0xFFFFF800;
	v5 =	vmin.f32 v5, $1.000000000e+00  }
.Ltmp0:
0x1e8: {  	v63 =	vsub.f32 $1.000000000e+00, v5;
	(pc) =	sbr.rel @p0 .LBB2_2-.Ltmp0, $4  }
0x1e9: {  	[tilespmem:v8+s12+$0x0] =	vst.idx.msk $0xffff, v5  }
0x1ea: {  	[tilespmem:v6+s12+$0x0] =	vst.idx.msk $0xffff, v63  }
0x1eb: {  	s18 =	sadd.s32 $0x800, s18;
	s20 =	sadd.s32 $0x20400, s20;
	s19 =	sadd.s32 $0x40, s19;
	[tilespmem:$0x5190] =	vst v7  }
0x1ec: {  	[hbm4b:s20+s4] =	stream.linear.scatter [tilespmem:s12], [sflag:$0x2], $0x2000, $0x38;
	[tilespmem:$0x5200] =	vst v63  }
0x1ed: {  	s17 =	sadd.s32 $0x1, s17  }
0x1ee: {  	_ =	swait.ge [sflag:s15], $0x2000;
	p0 =	sne.s32 s17, s8  }
.Ltmp1:
0x1ef: {  	[sflag:s15] =	ssyncset.done $0x0;
	(pc) =	sbr.rel @p0 .LBB2_1-.Ltmp1, $4  }
0x1f0: {  	[sflag:s15] =	ssyncadd.s32 $0xFFFFE000  }
0x1f1: {  	_ =	swait.ge [sflag:s16], $0x2000  }
0x1f2: {  	[sflag:s16] =	ssyncset.done $0x0  }
0x1f3: {  	[sflag:s16] =	ssyncadd.s32 $0xFFFFE000  }
0x1f4: {  	_ =	sfence.sel $0x180000  }
0x1f5: {  	[bflag:$0x0] =	sbarrier.arrive $0xFFFF  }
0x1f6: {  	p0 =	sne.s32 s3, $0x0;
	_ =	strace $0x90000047  }
0x1f7: {  	s0 =	sadd.s32 @!p0 $0x100000, s2;
	[bflag:$0x2] =	sbarrier.arrive $0xFFFF  }
0x1f8: {  	[sflag:s0] =	ssyncadd.tile.s32 @!p0 $0x1;
	_ =	shalt  }
.Lfunc_end2:
_tile_overlayer_lowered:
.L_overlay_start_2:
0x1f9: {  	(tag) =	ssettag $0x2  }
0x1fa: {  	s0 =	rddreg [dreg:$0x0];
	s2 =	stileid.u32  }
0x1fb: {  	s1 =	rddreg [dreg:$0x1];
	p0 =	sne.s32 s2, $0x0  }
0x1fc: {  	s3 =	rddreg [dreg:$0x2];
	[bflag:$0x3] =	sbarrier.arrive $0xFFFF;
	s2 =	simm.s32 @!p0 $0x1C05  }
0x1fd: {  	[timem:s3], [sflag:s2] =	dma.local @!p0 [hbm:s0], s1  }
0x1fe: {  	s0 =	simm.s32 @!p0 $0x5  }
0x1ff: {  	_ =	swait.ge @!p0 [sflag:s0], s1  }
0x200: {  	s1 =	ssub.s32 @!p0 $0x0, s1;
	[sflag:s0] =	ssyncset.done @!p0 $0x0  }
0x201: {  	[sflag:s0] =	ssyncadd.s32 @!p0 s1  }
0x202: {  	[bflag:$0x3] =	sbarrier.arrive $0xFFFF  }
0x203: {  	_ =	shalt  }

</sc_bundles>
